<compile_context>
chip_gen: v7x
topology: tpu7x:2x2x1
jax: 0.10.2.dev20260603
libtpu: 0.0.44.dev20260713+nightly
codegen_flags: <defaults>
</compile_context>

<pallas_src>
import functools

import jax
import jax.numpy as jnp
from jax import lax
from jax.experimental import pallas as pl
from jax.experimental.pallas import tpu as pltpu
from jax.experimental.pallas import tpu_sc as plsc

N = 10000
E = 320000
D = 128
H = 256
O = 128

NP = 10240
CH = 128
NTILE = 16
NCORE = 2
NCHUNK = 160
EW = NCHUNK * CH
EPAD = NTILE * EW
RPT = NP // NTILE


def _prep_edges(ei_ui, ei_iu):
    def prep(ei, off):
        pad = EPAD - E
        src = jnp.concatenate([ei[0] + off, jnp.zeros((pad,), jnp.int32)])
        dst = jnp.concatenate([ei[1], jnp.full((pad,), N, jnp.int32)])
        return src.reshape(NTILE, NCHUNK, CH), dst.reshape(NTILE, NCHUNK, CH)

    su, du = prep(ei_ui, 0)
    si, di = prep(ei_iu, NP)
    return jnp.stack([su, si]), jnp.stack([du, di])


def _sc_segsum(table, srcs, dsts, with_counts):
    mesh = plsc.VectorSubcoreMesh(core_axis_name="c", subcore_axis_name="s")
    out_type = [jax.ShapeDtypeStruct((NCORE, NP, D), jnp.float32)]
    if with_counts:
        out_type.append(jax.ShapeDtypeStruct((NCORE, NP), jnp.float32))
    scratch = [
        pltpu.VMEM((3, CH), jnp.int32),
        pltpu.VMEM((3, CH), jnp.int32),
        pltpu.VMEM((2, CH, D), jnp.float32),
        pltpu.VMEM((CH,), jnp.float32),
        pltpu.VMEM_SHARED((NP, D), jnp.float32),
        pltpu.VMEM_SHARED((NP,), jnp.float32),
        pltpu.SemaphoreType.DMA,
        pltpu.SemaphoreType.DMA,
        pltpu.SemaphoreType.DMA,
        pltpu.SemaphoreType.DMA,
    ]

    @functools.partial(pl.kernel, out_type=out_type, mesh=mesh,
                       scratch_types=scratch)
    def k(table_h, srcs_h, dsts_h, zrows_h, zcnt_h, *rest):
        if with_counts:
            (sums_h, counts_h, src_v, dst_v, rows_v, ones_v, acc, cacc,
             gsem, isem, ssem, csem) = rest
        else:
            (sums_h, src_v, dst_v, rows_v, ones_v, acc, cacc,
             gsem, isem, ssem, csem) = rest
        cid = lax.axis_index("c")
        sid = lax.axis_index("s")
        sl = pl.ds(sid * RPT, RPT)

        def stage_idx(chunk, buf, sync):
            cp = pltpu.sync_copy if sync else (
                lambda s, d: pltpu.async_copy(s, d, isem))
            cp(srcs_h.at[cid, sid, chunk], src_v.at[buf])
            cp(dsts_h.at[cid, sid, chunk], dst_v.at[buf])

        def wait_idx():
            pltpu.make_async_copy(srcs_h.at[cid, sid, 0], src_v.at[0], isem).wait()
            pltpu.make_async_copy(dsts_h.at[cid, sid, 0], dst_v.at[0], isem).wait()

        def gather(chunk_buf, row_buf):
            pltpu.async_copy(table_h.at[src_v.at[chunk_buf]],
                             rows_v.at[row_buf], gsem)

        def wait_gather():
            pltpu.make_async_copy(table_h.at[src_v.at[0]], rows_v.at[0],
                                  gsem).wait()

        def scatter(row_buf, chunk_buf):
            pltpu.async_copy(rows_v.at[row_buf], acc.at[dst_v.at[chunk_buf]],
                             ssem, add=True)
            if with_counts:
                pltpu.async_copy(ones_v, cacc.at[dst_v.at[chunk_buf]],
                                 csem, add=True)

        def wait_scatter():
            pltpu.make_async_copy(rows_v.at[0], acc.at[dst_v.at[0]], ssem).wait()
            if with_counts:
                pltpu.make_async_copy(ones_v, cacc.at[dst_v.at[0]], csem).wait()

        pltpu.sync_copy(zrows_h.at[sl], acc.at[sl])
        if with_counts:
            pltpu.sync_copy(zcnt_h.at[sl], cacc.at[sl])
            for i in range(CH // 16):
                ones_v[pl.ds(i * 16, 16)] = jnp.ones((16,), jnp.float32)

        plsc.subcore_barrier()

        stage_idx(0, 0, sync=True)
        stage_idx(1, 1, sync=False)
        gather(0, 0)

        def body(j, carry):
            @pl.when(j > 0)
            def _():
                wait_scatter()
            wait_idx()
            stage_idx((j + 2) % NCHUNK, (j + 2) % 3, sync=False)
            wait_gather()
            @pl.when(j + 1 < NCHUNK)
            def _():
                gather((j + 1) % 3, (j + 1) % 2)
            scatter(j % 2, j % 3)
            return carry

        lax.fori_loop(0, NCHUNK, body, 0)
        wait_scatter()
        wait_idx()
        plsc.subcore_barrier()

        pltpu.sync_copy(acc.at[sl], sums_h.at[cid, sl])
        if with_counts:
            pltpu.sync_copy(cacc.at[sl], counts_h.at[cid, sl])

    zrows = jnp.zeros((NP, D), jnp.float32)
    zcnt = jnp.zeros((NP,), jnp.float32)
    out = k(table, srcs, dsts, zrows, zcnt)
    return tuple(jax.tree.leaves(out))


_BR = 1280


def _tc1_body(s_ref, c_ref, x_ref, wl1_ref, wr1_ref, b1_ref, g1_ref, be1_ref,
              wl2_ref, wc_ref, bc_ref, y_ref, w_ref):
    cnt = jnp.maximum(c_ref[0], 1.0)
    agg = s_ref[0] / cnt
    h = (jnp.dot(agg, wl1_ref[0], preferred_element_type=jnp.float32)
         + jnp.dot(x_ref[0], wr1_ref[0], preferred_element_type=jnp.float32)
         + b1_ref[0])
    m = jnp.mean(h, axis=-1, keepdims=True)
    v = jnp.mean((h - m) ** 2, axis=-1, keepdims=True)
    x1 = jnp.maximum((h - m) * lax.rsqrt(v + 1e-5) * g1_ref[0] + be1_ref[0], 0.0)
    y_ref[0] = jnp.dot(x1, wl2_ref[0], preferred_element_type=jnp.float32)
    w_ref[0] = (jnp.dot(x1, wc_ref[0], preferred_element_type=jnp.float32)
                + bc_ref[0])


def _tc2_body(s_ref, c_ref, w_ref, g2_ref, be2_ref, pw_ref, pb_ref, o_ref):
    cnt = jnp.maximum(c_ref[0], 1.0)
    t = s_ref[0] / cnt + w_ref[0]
    m = jnp.mean(t, axis=-1, keepdims=True)
    v = jnp.mean((t - m) ** 2, axis=-1, keepdims=True)
    x2 = (t - m) * lax.rsqrt(v + 1e-5) * g2_ref[0] + be2_ref[0]
    o_ref[0] = jnp.dot(x2, pw_ref[0], preferred_element_type=jnp.float32) + pb_ref[0]


def _rows(shape):
    return pl.BlockSpec((1, _BR) + shape[2:], lambda t, i: (t, i) + (0,) * (len(shape) - 2))


def _whole(shape):
    return pl.BlockSpec((1,) + shape[1:], lambda t, i: (t,) + (0,) * (len(shape) - 1))


def _tc_call(body, ins, n_out, out_dim):
    grid = (NCORE, NP // _BR)
    in_specs = [_rows(a.shape) if a.shape[1] == NP else _whole(a.shape) for a in ins]
    out_shape = [jax.ShapeDtypeStruct((NCORE, NP, out_dim), jnp.float32)] * n_out
    out_specs = [_rows((NCORE, NP, out_dim))] * n_out
    res = pl.pallas_call(
        body, grid=grid, in_specs=in_specs, out_specs=out_specs,
        out_shape=out_shape)(*ins)
    return res


def kernel(x_user, x_item, edge_index_user_rates_item, edge_index_item_rated_by_user,
           Wl1_ui, Wr1_ui, b1_ui, Wl2_ui, Wr2_ui, b2_ui,
           Wl1_iu, Wr1_iu, b1_iu, Wl2_iu, Wr2_iu, b2_iu,
           g1_user, be1_user, g2_user, be2_user, Rw_user, Rb_user, Pw_user, Pb_user,
           g1_item, be1_item, g2_item, be2_item, Rw_item, Rb_item, Pw_item, Pb_item):
    srcs, dsts = _prep_edges(edge_index_user_rates_item, edge_index_item_rated_by_user)
    pad = lambda a: jnp.pad(a, ((0, NP - N), (0, 0)))
    table1 = jnp.concatenate([pad(x_user), pad(x_item)], 0)
    x = jnp.stack([pad(x_item), pad(x_user)])
    wl1 = jnp.stack([Wl1_ui, Wl1_iu])
    wr1 = jnp.stack([Wr1_ui, Wr1_iu])
    b1 = jnp.stack([b1_ui, b1_iu])[:, None, :]
    g1 = jnp.stack([g1_item, g1_user])[:, None, :]
    be1 = jnp.stack([be1_item, be1_user])[:, None, :]
    wl2 = jnp.stack([Wl2_iu, Wl2_ui])
    wc = jnp.stack([Wr2_ui + Rw_item, Wr2_iu + Rw_user])
    bc = jnp.stack([b2_ui + Rb_item, b2_iu + Rb_user])[:, None, :]
    g2 = jnp.stack([g2_item, g2_user])[:, None, :]
    be2 = jnp.stack([be2_item, be2_user])[:, None, :]
    pw = jnp.stack([Pw_item, Pw_user])
    pb = jnp.stack([Pb_item, Pb_user])[:, None, :]

    s1, counts = _sc_segsum(table1, srcs, dsts, with_counts=True)
    c = counts[:, :, None]

    y, w = _tc_call(_tc1_body, [s1, c, x, wl1, wr1, b1, g1, be1, wl2, wc, bc],
                    n_out=2, out_dim=O)

    table2 = jnp.concatenate([y[1], y[0]], 0)
    (s2,) = _sc_segsum(table2, srcs, dsts, with_counts=False)

    (out,) = _tc_call(_tc2_body, [s2, c, w, g2, be2, pw, pb], n_out=1, out_dim=O)
    return (out[1, :N], out[0, :N])

# --- scband reference (transcript-rebuilt; emitter-appended) ---
"""Pipeline reference for scband-hetero-gnn-61821759259490 (READ-ONLY COPY).

The authoritative reference and input builder live on the scoring server;
editing this copy changes nothing except your own understanding.
"""

import jax, jax.numpy as jnp
import numpy as np

N = 10000
E = 320000
D = 128
H = 256
O = 128


def setup_inputs(seed: int = 0) -> dict:
    key = jax.random.key(seed)
    ks = iter(jax.random.split(key, 64))

    def nrm(shape, scale=1.0):
        return jax.random.normal(next(ks), shape, jnp.float32) * scale

    inp = {}
    inp["x_user"] = nrm((N, D))
    inp["x_item"] = nrm((N, D))
    inp["edge_index_user_rates_item"] = jax.random.randint(next(ks), (2, E), 0, N, dtype=jnp.int32)
    inp["edge_index_item_rated_by_user"] = jax.random.randint(next(ks), (2, E), 0, N, dtype=jnp.int32)
    for et in ["ui", "iu"]:
        inp[f"Wl1_{et}"] = nrm((D, H), 1.0 / np.sqrt(D))
        inp[f"Wr1_{et}"] = nrm((D, H), 1.0 / np.sqrt(D))
        inp[f"b1_{et}"] = jnp.zeros((H,), jnp.float32)
        inp[f"Wl2_{et}"] = nrm((H, O), 1.0 / np.sqrt(H))
        inp[f"Wr2_{et}"] = nrm((H, O), 1.0 / np.sqrt(H))
        inp[f"b2_{et}"] = jnp.zeros((O,), jnp.float32)
    for nt in ["user", "item"]:
        inp[f"g1_{nt}"] = jnp.ones((H,), jnp.float32)
        inp[f"be1_{nt}"] = jnp.zeros((H,), jnp.float32)
        inp[f"g2_{nt}"] = jnp.ones((O,), jnp.float32)
        inp[f"be2_{nt}"] = jnp.zeros((O,), jnp.float32)
        inp[f"Rw_{nt}"] = nrm((H, O), 1.0 / np.sqrt(H))
        inp[f"Rb_{nt}"] = jnp.zeros((O,), jnp.float32)
        inp[f"Pw_{nt}"] = nrm((O, O), 1.0 / np.sqrt(O))
        inp[f"Pb_{nt}"] = jnp.zeros((O,), jnp.float32)
    return inp


def _ln(x, g, b, eps=1e-5):
    m = jnp.mean(x, axis=-1, keepdims=True)
    v = jnp.var(x, axis=-1, keepdims=True)
    return (x - m) / jnp.sqrt(v + eps) * g + b


def _sage(x_src, x_dst, ei, Wl, Wr, b, n_dst):
    # PyG SAGEConv (aggr='mean', root_weight=True): lin_l(mean_nbr) + lin_r(x_dst)
    src, dst = ei[0], ei[1]
    s = jax.ops.segment_sum(x_src[src], dst, num_segments=n_dst)
    c = jax.ops.segment_sum(jnp.ones((ei.shape[1], 1), x_src.dtype), dst, num_segments=n_dst)
    agg = s / jnp.maximum(c, 1.0)
    return agg @ Wl + x_dst @ Wr + b


def reference(x_user, x_item, edge_index_user_rates_item, edge_index_item_rated_by_user,
              Wl1_ui, Wr1_ui, b1_ui, Wl2_ui, Wr2_ui, b2_ui,
              Wl1_iu, Wr1_iu, b1_iu, Wl2_iu, Wr2_iu, b2_iu,
              g1_user, be1_user, g2_user, be2_user, Rw_user, Rb_user, Pw_user, Pb_user,
              g1_item, be1_item, g2_item, be2_item, Rw_item, Rb_item, Pw_item, Pb_item):
    ei_ui = edge_index_user_rates_item
    ei_iu = edge_index_item_rated_by_user
    # conv1 (HeteroConv aggr='mean'; each dst type receives exactly one relation)
    h1_item = _sage(x_user, x_item, ei_ui, Wl1_ui, Wr1_ui, b1_ui, N)
    h1_user = _sage(x_item, x_user, ei_iu, Wl1_iu, Wr1_iu, b1_iu, N)
    # norm1 -> relu -> dropout (eval mode: identity)
    x1_user = jax.nn.relu(_ln(h1_user, g1_user, be1_user))
    x1_item = jax.nn.relu(_ln(h1_item, g1_item, be1_item))
    # conv2
    h2_item = _sage(x1_user, x1_item, ei_ui, Wl2_ui, Wr2_ui, b2_ui, N)
    h2_user = _sage(x1_item, x1_user, ei_iu, Wl2_iu, Wr2_iu, b2_iu, N)
    # residual projection + norm2
    x2_user = _ln(h2_user + x1_user @ Rw_user + Rb_user, g2_user, be2_user)
    x2_item = _ln(h2_item + x1_item @ Rw_item + Rb_item, g2_item, be2_item)
    out_user = x2_user @ Pw_user + Pb_user
    out_item = x2_item @ Pw_item + Pb_item
    return (out_user, out_item)

if __name__ == "__main__":
    import jax
    _d = setup_inputs()
    print(jax.jit(kernel)(*tuple(_d.values())))

</pallas_src>

<mosaic_0001>
#map = affine_map<(d0, d1) -> (0, 0)>
#map1 = affine_map<(d0, d1) -> (0, 0, 0, 0)>
#map2 = affine_map<(d0, d1) -> (0)>
#map3 = affine_map<(d0, d1) -> (0, 0, 0)>
module attributes {stable_mosaic.version = 14 : i64} {
  func.func @k(%arg0: i32, %arg1: i32, %arg2: memref<20480x128xf32, #tpu.memory_space<hbm>>, %arg3: memref<2x16x160x128xi32, #tpu.memory_space<hbm>>, %arg4: memref<2x16x160x128xi32, #tpu.memory_space<hbm>>, %arg5: memref<10240x128xf32, #tpu.memory_space<hbm>>, %arg6: memref<10240xf32, #tpu.memory_space<hbm>>, %arg7: memref<2x10240x128xf32, #tpu.memory_space<hbm>>, %arg8: memref<3x128xi32, #tpu.memory_space<vmem>>, %arg9: memref<3x128xi32, #tpu.memory_space<vmem>>, %arg10: memref<2x128x128xf32, #tpu.memory_space<vmem>>, %arg11: memref<128xf32, #tpu.memory_space<vmem>>, %arg12: memref<10240x128xf32, #tpu.memory_space<vmem_shared>>, %arg13: memref<10240xf32, #tpu.memory_space<vmem_shared>>, %arg14: memref<!tpu.dma_semaphore, #tpu.memory_space<semaphore_mem>>, %arg15: memref<!tpu.dma_semaphore, #tpu.memory_space<semaphore_mem>>, %arg16: memref<!tpu.dma_semaphore, #tpu.memory_space<semaphore_mem>>, %arg17: memref<!tpu.dma_semaphore, #tpu.memory_space<semaphore_mem>>) attributes {dimension_semantics = [#tpu.dimension_semantics<core_parallel>, #tpu.dimension_semantics<subcore_parallel>], iteration_bounds = array<i64: 2, 16>, scalar_prefetch = 0 : i64, scratch_operands = 10 : i64, tpu.core_type = #tpu.core_type<sc_vector_subcore>, window_params = [{transform_indices = #map}, {transform_indices = #map1}, {transform_indices = #map1}, {transform_indices = #map}, {transform_indices = #map2}, {transform_indices = #map3}]} {
    %mul3A = arith.constant 640 : i32
    %mul3A_0 = arith.muli %arg1, %mul3A : i32
    "tpu.region"() ({
      %run_scoped3A_88 = tpu.sem_alloc : memref<!tpu.dma_semaphore, #tpu.memory_space<semaphore_mem>>
      %dma_start3A_89 = arith.constant 0 : i32
      %dma_start3A_90 = tpu.memref_slice %arg12[%mul3A_0, %dma_start3A_89] : memref<10240x128xf32, #tpu.memory_space<vmem_shared>> -> memref<640x128xf32, #tpu.memory_space<vmem_shared>>
      %dma_start3A_91 = arith.constant 0 : i32
      %dma_start3A_92 = tpu.memref_slice %arg5[%mul3A_0, %dma_start3A_91] : memref<10240x128xf32, #tpu.memory_space<hbm>> -> memref<640x128xf32, #tpu.memory_space<hbm>>
      tpu.enqueue_dma source(%dma_start3A_92 : memref<640x128xf32, #tpu.memory_space<hbm>>) target(%dma_start3A_90 : memref<640x128xf32, #tpu.memory_space<vmem_shared>>) target_semaphore(%run_scoped3A_88 : memref<!tpu.dma_semaphore, #tpu.memory_space<semaphore_mem>>)
      %dma_wait3A_93 = arith.constant 0 : i32
      %dma_wait3A_94 = tpu.memref_slice %arg12[%mul3A_0, %dma_wait3A_93] : memref<10240x128xf32, #tpu.memory_space<vmem_shared>> -> memref<640x128xf32, #tpu.memory_space<vmem_shared>>
      %dma_wait3A_95 = arith.constant 0 : i32
      %dma_wait3A_96 = tpu.memref_slice %arg5[%mul3A_0, %dma_wait3A_95] : memref<10240x128xf32, #tpu.memory_space<hbm>> -> memref<640x128xf32, #tpu.memory_space<hbm>>
      tpu.wait_dma2 semaphore(%run_scoped3A_88 : memref<!tpu.dma_semaphore, #tpu.memory_space<semaphore_mem>>) src(%dma_wait3A_96 : memref<640x128xf32, #tpu.memory_space<hbm>>) dst(%dma_wait3A_94 : memref<640x128xf32, #tpu.memory_space<vmem_shared>>)
      tpu.yield
    }) : () -> ()
    %barrier3A = arith.constant 0 : index
    tpu.barrier barrier_id(%barrier3A)
    %run_scoped3A = arith.constant 0 : i32
    %run_scoped3A_1 = arith.constant 0 : i32
    "tpu.region"() ({
      %run_scoped3A_88 = tpu.sem_alloc : memref<!tpu.dma_semaphore, #tpu.memory_space<semaphore_mem>>
      %dma_start3A_89 = arith.constant 0 : i32
      %dma_start3A_90 = tpu.memref_slice %arg8[%run_scoped3A_1, %dma_start3A_89] : memref<3x128xi32, #tpu.memory_space<vmem>> -> memref<1x128xi32, #tpu.memory_space<vmem>>
      %dma_start3A_91 = tpu.memref_squeeze %dma_start3A_90 : memref<1x128xi32, #tpu.memory_space<vmem>> -> memref<128xi32, #tpu.memory_space<vmem>>
      %dma_start3A_92 = arith.constant 0 : i32
      %dma_start3A_93 = tpu.memref_slice %arg3[%arg0, %arg1, %run_scoped3A, %dma_start3A_92] : memref<2x16x160x128xi32, #tpu.memory_space<hbm>> -> memref<1x1x1x128xi32, #tpu.memory_space<hbm>>
      %dma_start3A_94 = tpu.memref_squeeze %dma_start3A_93 : memref<1x1x1x128xi32, #tpu.memory_space<hbm>> -> memref<128xi32, #tpu.memory_space<hbm>>
      %dma_start3A_95 = arith.constant 0 : i32
      %dma_start3A_96 = tpu.memref_slice %arg8[%run_scoped3A_1, %dma_start3A_95] : memref<3x128xi32, #tpu.memory_space<vmem>> -> memref<1x128xi32, #tpu.memory_space<vmem>>
      %dma_start3A_97 = tpu.memref_squeeze %dma_start3A_96 : memref<1x128xi32, #tpu.memory_space<vmem>> -> memref<128xi32, #tpu.memory_space<vmem>>
      %dma_start3A_98 = arith.constant 0 : i32
      %dma_start3A_99 = tpu.memref_slice %arg3[%arg0, %arg1, %run_scoped3A, %dma_start3A_98] : memref<2x16x160x128xi32, #tpu.memory_space<hbm>> -> memref<1x1x1x128xi32, #tpu.memory_space<hbm>>
      %dma_start3A_100 = tpu.memref_squeeze %dma_start3A_99 : memref<1x1x1x128xi32, #tpu.memory_space<hbm>> -> memref<128xi32, #tpu.memory_space<hbm>>
      tpu.enqueue_dma source(%dma_start3A_100 : memref<128xi32, #tpu.memory_space<hbm>>) target(%dma_start3A_97 : memref<128xi32, #tpu.memory_space<vmem>>) target_semaphore(%run_scoped3A_88 : memref<!tpu.dma_semaphore, #tpu.memory_space<semaphore_mem>>)
      %dma_wait3A_101 = arith.constant 0 : i32
      %dma_wait3A_102 = tpu.memref_slice %arg8[%run_scoped3A_1, %dma_wait3A_101] : memref<3x128xi32, #tpu.memory_space<vmem>> -> memref<1x128xi32, #tpu.memory_space<vmem>>
      %dma_wait3A_103 = tpu.memref_squeeze %dma_wait3A_102 : memref<1x128xi32, #tpu.memory_space<vmem>> -> memref<128xi32, #tpu.memory_space<vmem>>
      %dma_wait3A_104 = arith.constant 0 : i32
      %dma_wait3A_105 = tpu.memref_slice %arg3[%arg0, %arg1, %run_scoped3A, %dma_wait3A_104] : memref<2x16x160x128xi32, #tpu.memory_space<hbm>> -> memref<1x1x1x128xi32, #tpu.memory_space<hbm>>
      %dma_wait3A_106 = tpu.memref_squeeze %dma_wait3A_105 : memref<1x1x1x128xi32, #tpu.memory_space<hbm>> -> memref<128xi32, #tpu.memory_space<hbm>>
      %dma_wait3A_107 = arith.constant 0 : i32
      %dma_wait3A_108 = tpu.memref_slice %arg8[%run_scoped3A_1, %dma_wait3A_107] : memref<3x128xi32, #tpu.memory_space<vmem>> -> memref<1x128xi32, #tpu.memory_space<vmem>>
      %dma_wait3A_109 = tpu.memref_squeeze %dma_wait3A_108 : memref<1x128xi32, #tpu.memory_space<vmem>> -> memref<128xi32, #tpu.memory_space<vmem>>
      %dma_wait3A_110 = arith.constant 0 : i32
      %dma_wait3A_111 = tpu.memref_slice %arg3[%arg0, %arg1, %run_scoped3A, %dma_wait3A_110] : memref<2x16x160x128xi32, #tpu.memory_space<hbm>> -> memref<1x1x1x128xi32, #tpu.memory_space<hbm>>
      %dma_wait3A_112 = tpu.memref_squeeze %dma_wait3A_111 : memref<1x1x1x128xi32, #tpu.memory_space<hbm>> -> memref<128xi32, #tpu.memory_space<hbm>>
      tpu.wait_dma2 semaphore(%run_scoped3A_88 : memref<!tpu.dma_semaphore, #tpu.memory_space<semaphore_mem>>) src(%dma_wait3A_112 : memref<128xi32, #tpu.memory_space<hbm>>) dst(%dma_wait3A_109 : memref<128xi32, #tpu.memory_space<vmem>>)
      tpu.yield
    }) : () -> ()
    %run_scoped3A_2 = arith.constant 0 : i32
    %run_scoped3A_3 = arith.constant 0 : i32
    "tpu.region"() ({
      %run_scoped3A_88 = tpu.sem_alloc : memref<!tpu.dma_semaphore, #tpu.memory_space<semaphore_mem>>
      %dma_start3A_89 = arith.constant 0 : i32
      %dma_start3A_90 = tpu.memref_slice %arg9[%run_scoped3A_3, %dma_start3A_89] : memref<3x128xi32, #tpu.memory_space<vmem>> -> memref<1x128xi32, #tpu.memory_space<vmem>>
      %dma_start3A_91 = tpu.memref_squeeze %dma_start3A_90 : memref<1x128xi32, #tpu.memory_space<vmem>> -> memref<128xi32, #tpu.memory_space<vmem>>
      %dma_start3A_92 = arith.constant 0 : i32
      %dma_start3A_93 = tpu.memref_slice %arg4[%arg0, %arg1, %run_scoped3A_2, %dma_start3A_92] : memref<2x16x160x128xi32, #tpu.memory_space<hbm>> -> memref<1x1x1x128xi32, #tpu.memory_space<hbm>>
      %dma_start3A_94 = tpu.memref_squeeze %dma_start3A_93 : memref<1x1x1x128xi32, #tpu.memory_space<hbm>> -> memref<128xi32, #tpu.memory_space<hbm>>
      %dma_start3A_95 = arith.constant 0 : i32
      %dma_start3A_96 = tpu.memref_slice %arg9[%run_scoped3A_3, %dma_start3A_95] : memref<3x128xi32, #tpu.memory_space<vmem>> -> memref<1x128xi32, #tpu.memory_space<vmem>>
      %dma_start3A_97 = tpu.memref_squeeze %dma_start3A_96 : memref<1x128xi32, #tpu.memory_space<vmem>> -> memref<128xi32, #tpu.memory_space<vmem>>
      %dma_start3A_98 = arith.constant 0 : i32
      %dma_start3A_99 = tpu.memref_slice %arg4[%arg0, %arg1, %run_scoped3A_2, %dma_start3A_98] : memref<2x16x160x128xi32, #tpu.memory_space<hbm>> -> memref<1x1x1x128xi32, #tpu.memory_space<hbm>>
      %dma_start3A_100 = tpu.memref_squeeze %dma_start3A_99 : memref<1x1x1x128xi32, #tpu.memory_space<hbm>> -> memref<128xi32, #tpu.memory_space<hbm>>
      tpu.enqueue_dma source(%dma_start3A_100 : memref<128xi32, #tpu.memory_space<hbm>>) target(%dma_start3A_97 : memref<128xi32, #tpu.memory_space<vmem>>) target_semaphore(%run_scoped3A_88 : memref<!tpu.dma_semaphore, #tpu.memory_space<semaphore_mem>>)
      %dma_wait3A_101 = arith.constant 0 : i32
      %dma_wait3A_102 = tpu.memref_slice %arg9[%run_scoped3A_3, %dma_wait3A_101] : memref<3x128xi32, #tpu.memory_space<vmem>> -> memref<1x128xi32, #tpu.memory_space<vmem>>
      %dma_wait3A_103 = tpu.memref_squeeze %dma_wait3A_102 : memref<1x128xi32, #tpu.memory_space<vmem>> -> memref<128xi32, #tpu.memory_space<vmem>>
      %dma_wait3A_104 = arith.constant 0 : i32
      %dma_wait3A_105 = tpu.memref_slice %arg4[%arg0, %arg1, %run_scoped3A_2, %dma_wait3A_104] : memref<2x16x160x128xi32, #tpu.memory_space<hbm>> -> memref<1x1x1x128xi32, #tpu.memory_space<hbm>>
      %dma_wait3A_106 = tpu.memref_squeeze %dma_wait3A_105 : memref<1x1x1x128xi32, #tpu.memory_space<hbm>> -> memref<128xi32, #tpu.memory_space<hbm>>
      %dma_wait3A_107 = arith.constant 0 : i32
      %dma_wait3A_108 = tpu.memref_slice %arg9[%run_scoped3A_3, %dma_wait3A_107] : memref<3x128xi32, #tpu.memory_space<vmem>> -> memref<1x128xi32, #tpu.memory_space<vmem>>
      %dma_wait3A_109 = tpu.memref_squeeze %dma_wait3A_108 : memref<1x128xi32, #tpu.memory_space<vmem>> -> memref<128xi32, #tpu.memory_space<vmem>>
      %dma_wait3A_110 = arith.constant 0 : i32
      %dma_wait3A_111 = tpu.memref_slice %arg4[%arg0, %arg1, %run_scoped3A_2, %dma_wait3A_110] : memref<2x16x160x128xi32, #tpu.memory_space<hbm>> -> memref<1x1x1x128xi32, #tpu.memory_space<hbm>>
      %dma_wait3A_112 = tpu.memref_squeeze %dma_wait3A_111 : memref<1x1x1x128xi32, #tpu.memory_space<hbm>> -> memref<128xi32, #tpu.memory_space<hbm>>
      tpu.wait_dma2 semaphore(%run_scoped3A_88 : memref<!tpu.dma_semaphore, #tpu.memory_space<semaphore_mem>>) src(%dma_wait3A_112 : memref<128xi32, #tpu.memory_space<hbm>>) dst(%dma_wait3A_109 : memref<128xi32, #tpu.memory_space<vmem>>)
      tpu.yield
    }) : () -> ()
    %dma_start3A = arith.constant 1 : i32
    %dma_start3A_4 = arith.constant 1 : i32
    %dma_start3A_5 = arith.constant 0 : i32
    %dma_start3A_6 = tpu.memref_slice %arg8[%dma_start3A_4, %dma_start3A_5] : memref<3x128xi32, #tpu.memory_space<vmem>> -> memref<1x128xi32, #tpu.memory_space<vmem>>
    %dma_start3A_7 = tpu.memref_squeeze %dma_start3A_6 : memref<1x128xi32, #tpu.memory_space<vmem>> -> memref<128xi32, #tpu.memory_space<vmem>>
    %dma_start3A_8 = arith.constant 0 : i32
    %dma_start3A_9 = tpu.memref_slice %arg3[%arg0, %arg1, %dma_start3A, %dma_start3A_8] : memref<2x16x160x128xi32, #tpu.memory_space<hbm>> -> memref<1x1x1x128xi32, #tpu.memory_space<hbm>>
    %dma_start3A_10 = tpu.memref_squeeze %dma_start3A_9 : memref<1x1x1x128xi32, #tpu.memory_space<hbm>> -> memref<128xi32, #tpu.memory_space<hbm>>
    %dma_start3A_11 = arith.constant 0 : i32
    %dma_start3A_12 = tpu.memref_slice %arg8[%dma_start3A_4, %dma_start3A_11] : memref<3x128xi32, #tpu.memory_space<vmem>> -> memref<1x128xi32, #tpu.memory_space<vmem>>
    %dma_start3A_13 = tpu.memref_squeeze %dma_start3A_12 : memref<1x128xi32, #tpu.memory_space<vmem>> -> memref<128xi32, #tpu.memory_space<vmem>>
    %dma_start3A_14 = arith.constant 0 : i32
    %dma_start3A_15 = tpu.memref_slice %arg3[%arg0, %arg1, %dma_start3A, %dma_start3A_14] : memref<2x16x160x128xi32, #tpu.memory_space<hbm>> -> memref<1x1x1x128xi32, #tpu.memory_space<hbm>>
    %dma_start3A_16 = tpu.memref_squeeze %dma_start3A_15 : memref<1x1x1x128xi32, #tpu.memory_space<hbm>> -> memref<128xi32, #tpu.memory_space<hbm>>
    tpu.enqueue_dma source(%dma_start3A_16 : memref<128xi32, #tpu.memory_space<hbm>>) target(%dma_start3A_13 : memref<128xi32, #tpu.memory_space<vmem>>) target_semaphore(%arg15 : memref<!tpu.dma_semaphore, #tpu.memory_space<semaphore_mem>>)
    %dma_start3A_17 = arith.constant 1 : i32
    %dma_start3A_18 = arith.constant 1 : i32
    %dma_start3A_19 = arith.constant 0 : i32
    %dma_start3A_20 = tpu.memref_slice %arg9[%dma_start3A_18, %dma_start3A_19] : memref<3x128xi32, #tpu.memory_space<vmem>> -> memref<1x128xi32, #tpu.memory_space<vmem>>
    %dma_start3A_21 = tpu.memref_squeeze %dma_start3A_20 : memref<1x128xi32, #tpu.memory_space<vmem>> -> memref<128xi32, #tpu.memory_space<vmem>>
    %dma_start3A_22 = arith.constant 0 : i32
    %dma_start3A_23 = tpu.memref_slice %arg4[%arg0, %arg1, %dma_start3A_17, %dma_start3A_22] : memref<2x16x160x128xi32, #tpu.memory_space<hbm>> -> memref<1x1x1x128xi32, #tpu.memory_space<hbm>>
    %dma_start3A_24 = tpu.memref_squeeze %dma_start3A_23 : memref<1x1x1x128xi32, #tpu.memory_space<hbm>> -> memref<128xi32, #tpu.memory_space<hbm>>
    %dma_start3A_25 = arith.constant 0 : i32
    %dma_start3A_26 = tpu.memref_slice %arg9[%dma_start3A_18, %dma_start3A_25] : memref<3x128xi32, #tpu.memory_space<vmem>> -> memref<1x128xi32, #tpu.memory_space<vmem>>
    %dma_start3A_27 = tpu.memref_squeeze %dma_start3A_26 : memref<1x128xi32, #tpu.memory_space<vmem>> -> memref<128xi32, #tpu.memory_space<vmem>>
    %dma_start3A_28 = arith.constant 0 : i32
    %dma_start3A_29 = tpu.memref_slice %arg4[%arg0, %arg1, %dma_start3A_17, %dma_start3A_28] : memref<2x16x160x128xi32, #tpu.memory_space<hbm>> -> memref<1x1x1x128xi32, #tpu.memory_space<hbm>>
    %dma_start3A_30 = tpu.memref_squeeze %dma_start3A_29 : memref<1x1x1x128xi32, #tpu.memory_space<hbm>> -> memref<128xi32, #tpu.memory_space<hbm>>
    tpu.enqueue_dma source(%dma_start3A_30 : memref<128xi32, #tpu.memory_space<hbm>>) target(%dma_start3A_27 : memref<128xi32, #tpu.memory_space<vmem>>) target_semaphore(%arg15 : memref<!tpu.dma_semaphore, #tpu.memory_space<semaphore_mem>>)
    %dma_start3A_31 = arith.constant 0 : i32
    %dma_start3A_32 = arith.constant 0 : i32
    %dma_start3A_33 = arith.constant 0 : i32
    %dma_start3A_34 = arith.constant 0 : i32
    %dma_start3A_35 = tpu.memref_slice %arg10[%dma_start3A_32, %dma_start3A_33, %dma_start3A_34] : memref<2x128x128xf32, #tpu.memory_space<vmem>> -> memref<1x128x128xf32, #tpu.memory_space<vmem>>
    %dma_start3A_36 = tpu.memref_squeeze %dma_start3A_35 : memref<1x128x128xf32, #tpu.memory_space<vmem>> -> memref<128x128xf32, #tpu.memory_space<vmem>>
    %dma_start3A_37 = arith.constant 0 : i32
    %dma_start3A_38 = tpu.memref_slice %arg8[%dma_start3A_31, %dma_start3A_37] : memref<3x128xi32, #tpu.memory_space<vmem>> -> memref<1x128xi32, #tpu.memory_space<vmem>>
    %dma_start3A_39 = tpu.memref_squeeze %dma_start3A_38 : memref<1x128xi32, #tpu.memory_space<vmem>> -> memref<128xi32, #tpu.memory_space<vmem>>
    %dma_start3A_40 = arith.constant 0 : i32
    %dma_start3A_41 = arith.constant 0 : i32
    %dma_start3A_42 = tpu.memref_slice %arg2[%dma_start3A_40, %dma_start3A_41] : memref<20480x128xf32, #tpu.memory_space<hbm>> -> memref<20480x128xf32, #tpu.memory_space<hbm>>
    tpu.enqueue_indirect_dma source(%dma_start3A_42 : memref<20480x128xf32, #tpu.memory_space<hbm>>) target(%dma_start3A_36 : memref<128x128xf32, #tpu.memory_space<vmem>>) offsets(%dma_start3A_39 : memref<128xi32, #tpu.memory_space<vmem>>) semaphore(%arg14 : memref<!tpu.dma_semaphore, #tpu.memory_space<semaphore_mem>>)
    %scan3A = arith.constant 0 : i32
    %scan3A_43 = arith.constant 0 : i32
    %scan3A_44 = arith.constant 160 : i32
    %scan3A_45 = arith.addi %scan3A_43, %scan3A_44 : i32
    %scan3A_46 = arith.constant 1 : i32
    scf.for %scan3A_88 = %scan3A_43 to %scan3A_45 step %scan3A_46  : i32 {
      %gt3A = arith.constant 0 : i32
      %gt3A_89 = arith.cmpi sgt, %scan3A_88, %gt3A : i32
      %convert_element_type3A = arith.extui %gt3A_89 : i1 to i32
      %cond3A = arith.constant 0 : i32
      %cond3A_90 = arith.cmpi ne, %convert_element_type3A, %cond3A : i32
      scf.if %cond3A_90 {
        %dma_wait3A_232 = arith.constant 0 : i32
        %dma_wait3A_233 = arith.constant 0 : i32
        %dma_wait3A_234 = arith.constant 0 : i32
        %dma_wait3A_235 = arith.constant 0 : i32
        %dma_wait3A_236 = tpu.memref_slice %arg10[%dma_wait3A_232, %dma_wait3A_234, %dma_wait3A_235] : memref<2x128x128xf32, #tpu.memory_space<vmem>> -> memref<1x128x128xf32, #tpu.memory_space<vmem>>
        %dma_wait3A_237 = tpu.memref_squeeze %dma_wait3A_236 : memref<1x128x128xf32, #tpu.memory_space<vmem>> -> memref<128x128xf32, #tpu.memory_space<vmem>>
        %dma_wait3A_238 = arith.constant 0 : i32
        %dma_wait3A_239 = tpu.memref_slice %arg9[%dma_wait3A_233, %dma_wait3A_238] : memref<3x128xi32, #tpu.memory_space<vmem>> -> memref<1x128xi32, #tpu.memory_space<vmem>>
        %dma_wait3A_240 = tpu.memref_squeeze %dma_wait3A_239 : memref<1x128xi32, #tpu.memory_space<vmem>> -> memref<128xi32, #tpu.memory_space<vmem>>
        %dma_wait3A_241 = arith.constant 0 : i32
        %dma_wait3A_242 = arith.constant 0 : i32
        %dma_wait3A_243 = tpu.memref_slice %arg12[%dma_wait3A_241, %dma_wait3A_242] : memref<10240x128xf32, #tpu.memory_space<vmem_shared>> -> memref<10240x128xf32, #tpu.memory_space<vmem_shared>>
        tpu.wait_indirect_dma semaphore(%arg16 : memref<!tpu.dma_semaphore, #tpu.memory_space<semaphore_mem>>) src(%dma_wait3A_237 : memref<128x128xf32, #tpu.memory_space<vmem>>) dst(%dma_wait3A_243 : memref<10240x128xf32, #tpu.memory_space<vmem_shared>>)
      } else {
      }
      %dma_wait3A_91 = arith.constant 0 : i32
      %dma_wait3A_92 = arith.constant 0 : i32
      %dma_wait3A_93 = arith.constant 0 : i32
      %dma_wait3A_94 = tpu.memref_slice %arg8[%dma_wait3A_92, %dma_wait3A_93] : memref<3x128xi32, #tpu.memory_space<vmem>> -> memref<1x128xi32, #tpu.memory_space<vmem>>
      %dma_wait3A_95 = tpu.memref_squeeze %dma_wait3A_94 : memref<1x128xi32, #tpu.memory_space<vmem>> -> memref<128xi32, #tpu.memory_space<vmem>>
      %dma_wait3A_96 = arith.constant 0 : i32
      %dma_wait3A_97 = tpu.memref_slice %arg3[%arg0, %arg1, %dma_wait3A_91, %dma_wait3A_96] : memref<2x16x160x128xi32, #tpu.memory_space<hbm>> -> memref<1x1x1x128xi32, #tpu.memory_space<hbm>>
      %dma_wait3A_98 = tpu.memref_squeeze %dma_wait3A_97 : memref<1x1x1x128xi32, #tpu.memory_space<hbm>> -> memref<128xi32, #tpu.memory_space<hbm>>
      %dma_wait3A_99 = arith.constant 0 : i32
      %dma_wait3A_100 = tpu.memref_slice %arg8[%dma_wait3A_92, %dma_wait3A_99] : memref<3x128xi32, #tpu.memory_space<vmem>> -> memref<1x128xi32, #tpu.memory_space<vmem>>
      %dma_wait3A_101 = tpu.memref_squeeze %dma_wait3A_100 : memref<1x128xi32, #tpu.memory_space<vmem>> -> memref<128xi32, #tpu.memory_space<vmem>>
      %dma_wait3A_102 = arith.constant 0 : i32
      %dma_wait3A_103 = tpu.memref_slice %arg3[%arg0, %arg1, %dma_wait3A_91, %dma_wait3A_102] : memref<2x16x160x128xi32, #tpu.memory_space<hbm>> -> memref<1x1x1x128xi32, #tpu.memory_space<hbm>>
      %dma_wait3A_104 = tpu.memref_squeeze %dma_wait3A_103 : memref<1x1x1x128xi32, #tpu.memory_space<hbm>> -> memref<128xi32, #tpu.memory_space<hbm>>
      tpu.wait_dma2 semaphore(%arg15 : memref<!tpu.dma_semaphore, #tpu.memory_space<semaphore_mem>>) src(%dma_wait3A_104 : memref<128xi32, #tpu.memory_space<hbm>>) dst(%dma_wait3A_101 : memref<128xi32, #tpu.memory_space<vmem>>)
      %dma_wait3A_105 = arith.constant 0 : i32
      %dma_wait3A_106 = arith.constant 0 : i32
      %dma_wait3A_107 = arith.constant 0 : i32
      %dma_wait3A_108 = tpu.memref_slice %arg9[%dma_wait3A_106, %dma_wait3A_107] : memref<3x128xi32, #tpu.memory_space<vmem>> -> memref<1x128xi32, #tpu.memory_space<vmem>>
      %dma_wait3A_109 = tpu.memref_squeeze %dma_wait3A_108 : memref<1x128xi32, #tpu.memory_space<vmem>> -> memref<128xi32, #tpu.memory_space<vmem>>
      %dma_wait3A_110 = arith.constant 0 : i32
      %dma_wait3A_111 = tpu.memref_slice %arg4[%arg0, %arg1, %dma_wait3A_105, %dma_wait3A_110] : memref<2x16x160x128xi32, #tpu.memory_space<hbm>> -> memref<1x1x1x128xi32, #tpu.memory_space<hbm>>
      %dma_wait3A_112 = tpu.memref_squeeze %dma_wait3A_111 : memref<1x1x1x128xi32, #tpu.memory_space<hbm>> -> memref<128xi32, #tpu.memory_space<hbm>>
      %dma_wait3A_113 = arith.constant 0 : i32
      %dma_wait3A_114 = tpu.memref_slice %arg9[%dma_wait3A_106, %dma_wait3A_113] : memref<3x128xi32, #tpu.memory_space<vmem>> -> memref<1x128xi32, #tpu.memory_space<vmem>>
      %dma_wait3A_115 = tpu.memref_squeeze %dma_wait3A_114 : memref<1x128xi32, #tpu.memory_space<vmem>> -> memref<128xi32, #tpu.memory_space<vmem>>
      %dma_wait3A_116 = arith.constant 0 : i32
      %dma_wait3A_117 = tpu.memref_slice %arg4[%arg0, %arg1, %dma_wait3A_105, %dma_wait3A_116] : memref<2x16x160x128xi32, #tpu.memory_space<hbm>> -> memref<1x1x1x128xi32, #tpu.memory_space<hbm>>
      %dma_wait3A_118 = tpu.memref_squeeze %dma_wait3A_117 : memref<1x1x1x128xi32, #tpu.memory_space<hbm>> -> memref<128xi32, #tpu.memory_space<hbm>>
      tpu.wait_dma2 semaphore(%arg15 : memref<!tpu.dma_semaphore, #tpu.memory_space<semaphore_mem>>) src(%dma_wait3A_118 : memref<128xi32, #tpu.memory_space<hbm>>) dst(%dma_wait3A_115 : memref<128xi32, #tpu.memory_space<vmem>>)
      %add3A = arith.constant 2 : i32
      %add3A_119 = arith.addi %scan3A_88, %add3A : i32
      %jit3A = arith.constant 160 : i32
      %eq3A = arith.constant 0 : i32
      %eq3A_120 = arith.cmpi eq, %jit3A, %eq3A : i32
      %jit3A_121 = arith.constant 1 : i32
      %select_n3A = arith.select %eq3A_120, %jit3A_121, %jit3A : i32
      %rem3A = arith.remsi %add3A_119, %select_n3A : i32
      %ne3A = arith.constant 0 : i32
      %ne3A_122 = arith.cmpi ne, %rem3A, %ne3A : i32
      %lt3A = arith.constant 0 : i32
      %lt3A_123 = arith.cmpi slt, %rem3A, %lt3A : i32
      %lt3A_124 = arith.constant 0 : i32
      %lt3A_125 = arith.cmpi slt, %select_n3A, %lt3A_124 : i32
      %ne3A_126 = arith.xori %lt3A_123, %lt3A_125 : i1
      %and3A = arith.andi %ne3A_126, %ne3A_122 : i1
      %add3A_127 = arith.addi %rem3A, %select_n3A : i32
      %select_n3A_128 = arith.select %and3A, %add3A_127, %rem3A : i32
      %add3A_129 = arith.constant 2 : i32
      %add3A_130 = arith.addi %scan3A_88, %add3A_129 : i32
      %jit3A_131 = arith.constant 3 : i32
      %eq3A_132 = arith.constant 0 : i32
      %eq3A_133 = arith.cmpi eq, %jit3A_131, %eq3A_132 : i32
      %jit3A_134 = arith.constant 1 : i32
      %select_n3A_135 = arith.select %eq3A_133, %jit3A_134, %jit3A_131 : i32
      %rem3A_136 = arith.remsi %add3A_130, %select_n3A_135 : i32
      %ne3A_137 = arith.constant 0 : i32
      %ne3A_138 = arith.cmpi ne, %rem3A_136, %ne3A_137 : i32
      %lt3A_139 = arith.constant 0 : i32
      %lt3A_140 = arith.cmpi slt, %rem3A_136, %lt3A_139 : i32
      %lt3A_141 = arith.constant 0 : i32
      %lt3A_142 = arith.cmpi slt, %select_n3A_135, %lt3A_141 : i32
      %ne3A_143 = arith.xori %lt3A_140, %lt3A_142 : i1
      %and3A_144 = arith.andi %ne3A_143, %ne3A_138 : i1
      %add3A_145 = arith.addi %rem3A_136, %select_n3A_135 : i32
      %select_n3A_146 = arith.select %and3A_144, %add3A_145, %rem3A_136 : i32
      %dma_start3A_147 = arith.constant 0 : i32
      %dma_start3A_148 = tpu.memref_slice %arg8[%select_n3A_146, %dma_start3A_147] : memref<3x128xi32, #tpu.memory_space<vmem>> -> memref<1x128xi32, #tpu.memory_space<vmem>>
      %dma_start3A_149 = tpu.memref_squeeze %dma_start3A_148 : memref<1x128xi32, #tpu.memory_space<vmem>> -> memref<128xi32, #tpu.memory_space<vmem>>
      %dma_start3A_150 = arith.constant 0 : i32
      %dma_start3A_151 = tpu.memref_slice %arg3[%arg0, %arg1, %select_n3A_128, %dma_start3A_150] : memref<2x16x160x128xi32, #tpu.memory_space<hbm>> -> memref<1x1x1x128xi32, #tpu.memory_space<hbm>>
      %dma_start3A_152 = tpu.memref_squeeze %dma_start3A_151 : memref<1x1x1x128xi32, #tpu.memory_space<hbm>> -> memref<128xi32, #tpu.memory_space<hbm>>
      %dma_start3A_153 = arith.constant 0 : i32
      %dma_start3A_154 = tpu.memref_slice %arg8[%select_n3A_146, %dma_start3A_153] : memref<3x128xi32, #tpu.memory_space<vmem>> -> memref<1x128xi32, #tpu.memory_space<vmem>>
      %dma_start3A_155 = tpu.memref_squeeze %dma_start3A_154 : memref<1x128xi32, #tpu.memory_space<vmem>> -> memref<128xi32, #tpu.memory_space<vmem>>
      %dma_start3A_156 = arith.constant 0 : i32
      %dma_start3A_157 = tpu.memref_slice %arg3[%arg0, %arg1, %select_n3A_128, %dma_start3A_156] : memref<2x16x160x128xi32, #tpu.memory_space<hbm>> -> memref<1x1x1x128xi32, #tpu.memory_space<hbm>>
      %dma_start3A_158 = tpu.memref_squeeze %dma_start3A_157 : memref<1x1x1x128xi32, #tpu.memory_space<hbm>> -> memref<128xi32, #tpu.memory_space<hbm>>
      tpu.enqueue_dma source(%dma_start3A_158 : memref<128xi32, #tpu.memory_space<hbm>>) target(%dma_start3A_155 : memref<128xi32, #tpu.memory_space<vmem>>) target_semaphore(%arg15 : memref<!tpu.dma_semaphore, #tpu.memory_space<semaphore_mem>>)
      %dma_start3A_159 = arith.constant 0 : i32
      %dma_start3A_160 = tpu.memref_slice %arg9[%select_n3A_146, %dma_start3A_159] : memref<3x128xi32, #tpu.memory_space<vmem>> -> memref<1x128xi32, #tpu.memory_space<vmem>>
      %dma_start3A_161 = tpu.memref_squeeze %dma_start3A_160 : memref<1x128xi32, #tpu.memory_space<vmem>> -> memref<128xi32, #tpu.memory_space<vmem>>
      %dma_start3A_162 = arith.constant 0 : i32
      %dma_start3A_163 = tpu.memref_slice %arg4[%arg0, %arg1, %select_n3A_128, %dma_start3A_162] : memref<2x16x160x128xi32, #tpu.memory_space<hbm>> -> memref<1x1x1x128xi32, #tpu.memory_space<hbm>>
      %dma_start3A_164 = tpu.memref_squeeze %dma_start3A_163 : memref<1x1x1x128xi32, #tpu.memory_space<hbm>> -> memref<128xi32, #tpu.memory_space<hbm>>
      %dma_start3A_165 = arith.constant 0 : i32
      %dma_start3A_166 = tpu.memref_slice %arg9[%select_n3A_146, %dma_start3A_165] : memref<3x128xi32, #tpu.memory_space<vmem>> -> memref<1x128xi32, #tpu.memory_space<vmem>>
      %dma_start3A_167 = tpu.memref_squeeze %dma_start3A_166 : memref<1x128xi32, #tpu.memory_space<vmem>> -> memref<128xi32, #tpu.memory_space<vmem>>
      %dma_start3A_168 = arith.constant 0 : i32
      %dma_start3A_169 = tpu.memref_slice %arg4[%arg0, %arg1, %select_n3A_128, %dma_start3A_168] : memref<2x16x160x128xi32, #tpu.memory_space<hbm>> -> memref<1x1x1x128xi32, #tpu.memory_space<hbm>>
      %dma_start3A_170 = tpu.memref_squeeze %dma_start3A_169 : memref<1x1x1x128xi32, #tpu.memory_space<hbm>> -> memref<128xi32, #tpu.memory_space<hbm>>
      tpu.enqueue_dma source(%dma_start3A_170 : memref<128xi32, #tpu.memory_space<hbm>>) target(%dma_start3A_167 : memref<128xi32, #tpu.memory_space<vmem>>) target_semaphore(%arg15 : memref<!tpu.dma_semaphore, #tpu.memory_space<semaphore_mem>>)
      %dma_wait3A_171 = arith.constant 0 : i32
      %dma_wait3A_172 = arith.constant 0 : i32
      %dma_wait3A_173 = arith.constant 0 : i32
      %dma_wait3A_174 = arith.constant 0 : i32
      %dma_wait3A_175 = tpu.memref_slice %arg10[%dma_wait3A_172, %dma_wait3A_173, %dma_wait3A_174] : memref<2x128x128xf32, #tpu.memory_space<vmem>> -> memref<1x128x128xf32, #tpu.memory_space<vmem>>
      %dma_wait3A_176 = tpu.memref_squeeze %dma_wait3A_175 : memref<1x128x128xf32, #tpu.memory_space<vmem>> -> memref<128x128xf32, #tpu.memory_space<vmem>>
      %dma_wait3A_177 = arith.constant 0 : i32
      %dma_wait3A_178 = tpu.memref_slice %arg8[%dma_wait3A_171, %dma_wait3A_177] : memref<3x128xi32, #tpu.memory_space<vmem>> -> memref<1x128xi32, #tpu.memory_space<vmem>>
      %dma_wait3A_179 = tpu.memref_squeeze %dma_wait3A_178 : memref<1x128xi32, #tpu.memory_space<vmem>> -> memref<128xi32, #tpu.memory_space<vmem>>
      %dma_wait3A_180 = arith.constant 0 : i32
      %dma_wait3A_181 = arith.constant 0 : i32
      %dma_wait3A_182 = tpu.memref_slice %arg2[%dma_wait3A_180, %dma_wait3A_181] : memref<20480x128xf32, #tpu.memory_space<hbm>> -> memref<20480x128xf32, #tpu.memory_space<hbm>>
      tpu.wait_indirect_dma semaphore(%arg14 : memref<!tpu.dma_semaphore, #tpu.memory_space<semaphore_mem>>) src(%dma_wait3A_182 : memref<20480x128xf32, #tpu.memory_space<hbm>>) dst(%dma_wait3A_176 : memref<128x128xf32, #tpu.memory_space<vmem>>)
      %add3A_183 = arith.constant 1 : i32
      %add3A_184 = arith.addi %scan3A_88, %add3A_183 : i32
      %lt3A_185 = arith.constant 160 : i32
      %lt3A_186 = arith.cmpi slt, %add3A_184, %lt3A_185 : i32
      %convert_element_type3A_187 = arith.extui %lt3A_186 : i1 to i32
      %cond3A_188 = arith.constant 0 : i32
      %cond3A_189 = arith.cmpi ne, %convert_element_type3A_187, %cond3A_188 : i32
      scf.if %cond3A_189 {
        %add3A_232 = arith.constant 1 : i32
        %add3A_233 = arith.addi %scan3A_88, %add3A_232 : i32
        %jit3A_234 = arith.constant 3 : i32
        %eq3A_235 = arith.constant 0 : i32
        %eq3A_236 = arith.cmpi eq, %jit3A_234, %eq3A_235 : i32
        %jit3A_237 = arith.constant 1 : i32
        %select_n3A_238 = arith.select %eq3A_236, %jit3A_237, %jit3A_234 : i32
        %rem3A_239 = arith.remsi %add3A_233, %select_n3A_238 : i32
        %ne3A_240 = arith.constant 0 : i32
        %ne3A_241 = arith.cmpi ne, %rem3A_239, %ne3A_240 : i32
        %lt3A_242 = arith.constant 0 : i32
        %lt3A_243 = arith.cmpi slt, %rem3A_239, %lt3A_242 : i32
        %lt3A_244 = arith.constant 0 : i32
        %lt3A_245 = arith.cmpi slt, %select_n3A_238, %lt3A_244 : i32
        %ne3A_246 = arith.xori %lt3A_243, %lt3A_245 : i1
        %and3A_247 = arith.andi %ne3A_246, %ne3A_241 : i1
        %add3A_248 = arith.addi %rem3A_239, %select_n3A_238 : i32
        %select_n3A_249 = arith.select %and3A_247, %add3A_248, %rem3A_239 : i32
        %add3A_250 = arith.constant 1 : i32
        %add3A_251 = arith.addi %scan3A_88, %add3A_250 : i32
        %jit3A_252 = arith.constant 2 : i32
        %eq3A_253 = arith.constant 0 : i32
        %eq3A_254 = arith.cmpi eq, %jit3A_252, %eq3A_253 : i32
        %jit3A_255 = arith.constant 1 : i32
        %select_n3A_256 = arith.select %eq3A_254, %jit3A_255, %jit3A_252 : i32
        %rem3A_257 = arith.remsi %add3A_251, %select_n3A_256 : i32
        %ne3A_258 = arith.constant 0 : i32
        %ne3A_259 = arith.cmpi ne, %rem3A_257, %ne3A_258 : i32
        %lt3A_260 = arith.constant 0 : i32
        %lt3A_261 = arith.cmpi slt, %rem3A_257, %lt3A_260 : i32
        %lt3A_262 = arith.constant 0 : i32
        %lt3A_263 = arith.cmpi slt, %select_n3A_256, %lt3A_262 : i32
        %ne3A_264 = arith.xori %lt3A_261, %lt3A_263 : i1
        %and3A_265 = arith.andi %ne3A_264, %ne3A_259 : i1
        %add3A_266 = arith.addi %rem3A_257, %select_n3A_256 : i32
        %select_n3A_267 = arith.select %and3A_265, %add3A_266, %rem3A_257 : i32
        %dma_start3A_268 = arith.constant 0 : i32
        %dma_start3A_269 = arith.constant 0 : i32
        %dma_start3A_270 = tpu.memref_slice %arg10[%select_n3A_267, %dma_start3A_268, %dma_start3A_269] : memref<2x128x128xf32, #tpu.memory_space<vmem>> -> memref<1x128x128xf32, #tpu.memory_space<vmem>>
        %dma_start3A_271 = tpu.memref_squeeze %dma_start3A_270 : memref<1x128x128xf32, #tpu.memory_space<vmem>> -> memref<128x128xf32, #tpu.memory_space<vmem>>
        %dma_start3A_272 = arith.constant 0 : i32
        %dma_start3A_273 = tpu.memref_slice %arg8[%select_n3A_249, %dma_start3A_272] : memref<3x128xi32, #tpu.memory_space<vmem>> -> memref<1x128xi32, #tpu.memory_space<vmem>>
        %dma_start3A_274 = tpu.memref_squeeze %dma_start3A_273 : memref<1x128xi32, #tpu.memory_space<vmem>> -> memref<128xi32, #tpu.memory_space<vmem>>
        %dma_start3A_275 = arith.constant 0 : i32
        %dma_start3A_276 = arith.constant 0 : i32
        %dma_start3A_277 = tpu.memref_slice %arg2[%dma_start3A_275, %dma_start3A_276] : memref<20480x128xf32, #tpu.memory_space<hbm>> -> memref<20480x128xf32, #tpu.memory_space<hbm>>
        tpu.enqueue_indirect_dma source(%dma_start3A_277 : memref<20480x128xf32, #tpu.memory_space<hbm>>) target(%dma_start3A_271 : memref<128x128xf32, #tpu.memory_space<vmem>>) offsets(%dma_start3A_274 : memref<128xi32, #tpu.memory_space<vmem>>) semaphore(%arg14 : memref<!tpu.dma_semaphore, #tpu.memory_space<semaphore_mem>>)
      } else {
      }
      %jit3A_190 = arith.constant 2 : i32
      %eq3A_191 = arith.constant 0 : i32
      %eq3A_192 = arith.cmpi eq, %jit3A_190, %eq3A_191 : i32
      %jit3A_193 = arith.constant 1 : i32
      %select_n3A_194 = arith.select %eq3A_192, %jit3A_193, %jit3A_190 : i32
      %rem3A_195 = arith.remsi %scan3A_88, %select_n3A_194 : i32
      %ne3A_196 = arith.constant 0 : i32
      %ne3A_197 = arith.cmpi ne, %rem3A_195, %ne3A_196 : i32
      %lt3A_198 = arith.constant 0 : i32
      %lt3A_199 = arith.cmpi slt, %rem3A_195, %lt3A_198 : i32
      %lt3A_200 = arith.constant 0 : i32
      %lt3A_201 = arith.cmpi slt, %select_n3A_194, %lt3A_200 : i32
      %ne3A_202 = arith.xori %lt3A_199, %lt3A_201 : i1
      %and3A_203 = arith.andi %ne3A_202, %ne3A_197 : i1
      %add3A_204 = arith.addi %rem3A_195, %select_n3A_194 : i32
      %select_n3A_205 = arith.select %and3A_203, %add3A_204, %rem3A_195 : i32
      %jit3A_206 = arith.constant 3 : i32
      %eq3A_207 = arith.constant 0 : i32
      %eq3A_208 = arith.cmpi eq, %jit3A_206, %eq3A_207 : i32
      %jit3A_209 = arith.constant 1 : i32
      %select_n3A_210 = arith.select %eq3A_208, %jit3A_209, %jit3A_206 : i32
      %rem3A_211 = arith.remsi %scan3A_88, %select_n3A_210 : i32
      %ne3A_212 = arith.constant 0 : i32
      %ne3A_213 = arith.cmpi ne, %rem3A_211, %ne3A_212 : i32
      %lt3A_214 = arith.constant 0 : i32
      %lt3A_215 = arith.cmpi slt, %rem3A_211, %lt3A_214 : i32
      %lt3A_216 = arith.constant 0 : i32
      %lt3A_217 = arith.cmpi slt, %select_n3A_210, %lt3A_216 : i32
      %ne3A_218 = arith.xori %lt3A_215, %lt3A_217 : i1
      %and3A_219 = arith.andi %ne3A_218, %ne3A_213 : i1
      %add3A_220 = arith.addi %rem3A_211, %select_n3A_210 : i32
      %select_n3A_221 = arith.select %and3A_219, %add3A_220, %rem3A_211 : i32
      %dma_start3A_222 = arith.constant 0 : i32
      %dma_start3A_223 = arith.constant 0 : i32
      %dma_start3A_224 = tpu.memref_slice %arg10[%select_n3A_205, %dma_start3A_222, %dma_start3A_223] : memref<2x128x128xf32, #tpu.memory_space<vmem>> -> memref<1x128x128xf32, #tpu.memory_space<vmem>>
      %dma_start3A_225 = tpu.memref_squeeze %dma_start3A_224 : memref<1x128x128xf32, #tpu.memory_space<vmem>> -> memref<128x128xf32, #tpu.memory_space<vmem>>
      %dma_start3A_226 = arith.constant 0 : i32
      %dma_start3A_227 = tpu.memref_slice %arg9[%select_n3A_221, %dma_start3A_226] : memref<3x128xi32, #tpu.memory_space<vmem>> -> memref<1x128xi32, #tpu.memory_space<vmem>>
      %dma_start3A_228 = tpu.memref_squeeze %dma_start3A_227 : memref<1x128xi32, #tpu.memory_space<vmem>> -> memref<128xi32, #tpu.memory_space<vmem>>
      %dma_start3A_229 = arith.constant 0 : i32
      %dma_start3A_230 = arith.constant 0 : i32
      %dma_start3A_231 = tpu.memref_slice %arg12[%dma_start3A_229, %dma_start3A_230] : memref<10240x128xf32, #tpu.memory_space<vmem_shared>> -> memref<10240x128xf32, #tpu.memory_space<vmem_shared>>
      tpu.enqueue_indirect_dma source(%dma_start3A_225 : memref<128x128xf32, #tpu.memory_space<vmem>>) target(%dma_start3A_231 : memref<10240x128xf32, #tpu.memory_space<vmem_shared>>) offsets(%dma_start3A_228 : memref<128xi32, #tpu.memory_space<vmem>>) semaphore(%arg16 : memref<!tpu.dma_semaphore, #tpu.memory_space<semaphore_mem>>) {add = true}
    }
    %scan3A_47 = arith.constant 160 : i32
    %dma_wait3A = arith.constant 0 : i32
    %dma_wait3A_48 = arith.constant 0 : i32
    %dma_wait3A_49 = arith.constant 0 : i32
    %dma_wait3A_50 = arith.constant 0 : i32
    %dma_wait3A_51 = tpu.memref_slice %arg10[%dma_wait3A, %dma_wait3A_49, %dma_wait3A_50] : memref<2x128x128xf32, #tpu.memory_space<vmem>> -> memref<1x128x128xf32, #tpu.memory_space<vmem>>
    %dma_wait3A_52 = tpu.memref_squeeze %dma_wait3A_51 : memref<1x128x128xf32, #tpu.memory_space<vmem>> -> memref<128x128xf32, #tpu.memory_space<vmem>>
    %dma_wait3A_53 = arith.constant 0 : i32
    %dma_wait3A_54 = tpu.memref_slice %arg9[%dma_wait3A_48, %dma_wait3A_53] : memref<3x128xi32, #tpu.memory_space<vmem>> -> memref<1x128xi32, #tpu.memory_space<vmem>>
    %dma_wait3A_55 = tpu.memref_squeeze %dma_wait3A_54 : memref<1x128xi32, #tpu.memory_space<vmem>> -> memref<128xi32, #tpu.memory_space<vmem>>
    %dma_wait3A_56 = arith.constant 0 : i32
    %dma_wait3A_57 = arith.constant 0 : i32
    %dma_wait3A_58 = tpu.memref_slice %arg12[%dma_wait3A_56, %dma_wait3A_57] : memref<10240x128xf32, #tpu.memory_space<vmem_shared>> -> memref<10240x128xf32, #tpu.memory_space<vmem_shared>>
    tpu.wait_indirect_dma semaphore(%arg16 : memref<!tpu.dma_semaphore, #tpu.memory_space<semaphore_mem>>) src(%dma_wait3A_52 : memref<128x128xf32, #tpu.memory_space<vmem>>) dst(%dma_wait3A_58 : memref<10240x128xf32, #tpu.memory_space<vmem_shared>>)
    %dma_wait3A_59 = arith.constant 0 : i32
    %dma_wait3A_60 = arith.constant 0 : i32
    %dma_wait3A_61 = arith.constant 0 : i32
    %dma_wait3A_62 = tpu.memref_slice %arg8[%dma_wait3A_60, %dma_wait3A_61] : memref<3x128xi32, #tpu.memory_space<vmem>> -> memref<1x128xi32, #tpu.memory_space<vmem>>
    %dma_wait3A_63 = tpu.memref_squeeze %dma_wait3A_62 : memref<1x128xi32, #tpu.memory_space<vmem>> -> memref<128xi32, #tpu.memory_space<vmem>>
    %dma_wait3A_64 = arith.constant 0 : i32
    %dma_wait3A_65 = tpu.memref_slice %arg3[%arg0, %arg1, %dma_wait3A_59, %dma_wait3A_64] : memref<2x16x160x128xi32, #tpu.memory_space<hbm>> -> memref<1x1x1x128xi32, #tpu.memory_space<hbm>>
    %dma_wait3A_66 = tpu.memref_squeeze %dma_wait3A_65 : memref<1x1x1x128xi32, #tpu.memory_space<hbm>> -> memref<128xi32, #tpu.memory_space<hbm>>
    %dma_wait3A_67 = arith.constant 0 : i32
    %dma_wait3A_68 = tpu.memref_slice %arg8[%dma_wait3A_60, %dma_wait3A_67] : memref<3x128xi32, #tpu.memory_space<vmem>> -> memref<1x128xi32, #tpu.memory_space<vmem>>
    %dma_wait3A_69 = tpu.memref_squeeze %dma_wait3A_68 : memref<1x128xi32, #tpu.memory_space<vmem>> -> memref<128xi32, #tpu.memory_space<vmem>>
    %dma_wait3A_70 = arith.constant 0 : i32
    %dma_wait3A_71 = tpu.memref_slice %arg3[%arg0, %arg1, %dma_wait3A_59, %dma_wait3A_70] : memref<2x16x160x128xi32, #tpu.memory_space<hbm>> -> memref<1x1x1x128xi32, #tpu.memory_space<hbm>>
    %dma_wait3A_72 = tpu.memref_squeeze %dma_wait3A_71 : memref<1x1x1x128xi32, #tpu.memory_space<hbm>> -> memref<128xi32, #tpu.memory_space<hbm>>
    tpu.wait_dma2 semaphore(%arg15 : memref<!tpu.dma_semaphore, #tpu.memory_space<semaphore_mem>>) src(%dma_wait3A_72 : memref<128xi32, #tpu.memory_space<hbm>>) dst(%dma_wait3A_69 : memref<128xi32, #tpu.memory_space<vmem>>)
    %dma_wait3A_73 = arith.constant 0 : i32
    %dma_wait3A_74 = arith.constant 0 : i32
    %dma_wait3A_75 = arith.constant 0 : i32
    %dma_wait3A_76 = tpu.memref_slice %arg9[%dma_wait3A_74, %dma_wait3A_75] : memref<3x128xi32, #tpu.memory_space<vmem>> -> memref<1x128xi32, #tpu.memory_space<vmem>>
    %dma_wait3A_77 = tpu.memref_squeeze %dma_wait3A_76 : memref<1x128xi32, #tpu.memory_space<vmem>> -> memref<128xi32, #tpu.memory_space<vmem>>
    %dma_wait3A_78 = arith.constant 0 : i32
    %dma_wait3A_79 = tpu.memref_slice %arg4[%arg0, %arg1, %dma_wait3A_73, %dma_wait3A_78] : memref<2x16x160x128xi32, #tpu.memory_space<hbm>> -> memref<1x1x1x128xi32, #tpu.memory_space<hbm>>
    %dma_wait3A_80 = tpu.memref_squeeze %dma_wait3A_79 : memref<1x1x1x128xi32, #tpu.memory_space<hbm>> -> memref<128xi32, #tpu.memory_space<hbm>>
    %dma_wait3A_81 = arith.constant 0 : i32
    %dma_wait3A_82 = tpu.memref_slice %arg9[%dma_wait3A_74, %dma_wait3A_81] : memref<3x128xi32, #tpu.memory_space<vmem>> -> memref<1x128xi32, #tpu.memory_space<vmem>>
    %dma_wait3A_83 = tpu.memref_squeeze %dma_wait3A_82 : memref<1x128xi32, #tpu.memory_space<vmem>> -> memref<128xi32, #tpu.memory_space<vmem>>
    %dma_wait3A_84 = arith.constant 0 : i32
    %dma_wait3A_85 = tpu.memref_slice %arg4[%arg0, %arg1, %dma_wait3A_73, %dma_wait3A_84] : memref<2x16x160x128xi32, #tpu.memory_space<hbm>> -> memref<1x1x1x128xi32, #tpu.memory_space<hbm>>
    %dma_wait3A_86 = tpu.memref_squeeze %dma_wait3A_85 : memref<1x1x1x128xi32, #tpu.memory_space<hbm>> -> memref<128xi32, #tpu.memory_space<hbm>>
    tpu.wait_dma2 semaphore(%arg15 : memref<!tpu.dma_semaphore, #tpu.memory_space<semaphore_mem>>) src(%dma_wait3A_86 : memref<128xi32, #tpu.memory_space<hbm>>) dst(%dma_wait3A_83 : memref<128xi32, #tpu.memory_space<vmem>>)
    %barrier3A_87 = arith.constant 0 : index
    tpu.barrier barrier_id(%barrier3A_87)
    "tpu.region"() ({
      %run_scoped3A_88 = tpu.sem_alloc : memref<!tpu.dma_semaphore, #tpu.memory_space<semaphore_mem>>
      %dma_start3A_89 = arith.constant 0 : i32
      %dma_start3A_90 = tpu.memref_slice %arg7[%arg0, %mul3A_0, %dma_start3A_89] : memref<2x10240x128xf32, #tpu.memory_space<hbm>> -> memref<1x640x128xf32, #tpu.memory_space<hbm>>
      %dma_start3A_91 = tpu.memref_squeeze %dma_start3A_90 : memref<1x640x128xf32, #tpu.memory_space<hbm>> -> memref<640x128xf32, #tpu.memory_space<hbm>>
      %dma_start3A_92 = arith.constant 0 : i32
      %dma_start3A_93 = tpu.memref_slice %arg12[%mul3A_0, %dma_start3A_92] : memref<10240x128xf32, #tpu.memory_space<vmem_shared>> -> memref<640x128xf32, #tpu.memory_space<vmem_shared>>
      tpu.enqueue_dma source(%dma_start3A_93 : memref<640x128xf32, #tpu.memory_space<vmem_shared>>) target(%dma_start3A_91 : memref<640x128xf32, #tpu.memory_space<hbm>>) target_semaphore(%run_scoped3A_88 : memref<!tpu.dma_semaphore, #tpu.memory_space<semaphore_mem>>)
      %dma_wait3A_94 = arith.constant 0 : i32
      %dma_wait3A_95 = tpu.memref_slice %arg7[%arg0, %mul3A_0, %dma_wait3A_94] : memref<2x10240x128xf32, #tpu.memory_space<hbm>> -> memref<1x640x128xf32, #tpu.memory_space<hbm>>
      %dma_wait3A_96 = tpu.memref_squeeze %dma_wait3A_95 : memref<1x640x128xf32, #tpu.memory_space<hbm>> -> memref<640x128xf32, #tpu.memory_space<hbm>>
      %dma_wait3A_97 = arith.constant 0 : i32
      %dma_wait3A_98 = tpu.memref_slice %arg12[%mul3A_0, %dma_wait3A_97] : memref<10240x128xf32, #tpu.memory_space<vmem_shared>> -> memref<640x128xf32, #tpu.memory_space<vmem_shared>>
      tpu.wait_dma2 semaphore(%run_scoped3A_88 : memref<!tpu.dma_semaphore, #tpu.memory_space<semaphore_mem>>) src(%dma_wait3A_98 : memref<640x128xf32, #tpu.memory_space<vmem_shared>>) dst(%dma_wait3A_96 : memref<640x128xf32, #tpu.memory_space<hbm>>)
      tpu.yield
    }) : () -> ()
    return
  }
}

#map = affine_map<(d0, d1) -> (0, 0)>
#map1 = affine_map<(d0, d1) -> (0, 0, 0, 0)>
#map2 = affine_map<(d0, d1) -> (0)>
#map3 = affine_map<(d0, d1) -> (0, 0, 0)>
module attributes {stable_mosaic.version = 14 : i64} {
  func.func @k(%arg0: i32, %arg1: i32, %arg2: memref<20480x128xf32, #tpu.memory_space<hbm>>, %arg3: memref<2x16x160x128xi32, #tpu.memory_space<hbm>>, %arg4: memref<2x16x160x128xi32, #tpu.memory_space<hbm>>, %arg5: memref<10240x128xf32, #tpu.memory_space<hbm>>, %arg6: memref<10240xf32, #tpu.memory_space<hbm>>, %arg7: memref<2x10240x128xf32, #tpu.memory_space<hbm>>, %arg8: memref<2x10240xf32, #tpu.memory_space<hbm>>, %arg9: memref<3x128xi32, #tpu.memory_space<vmem>>, %arg10: memref<3x128xi32, #tpu.memory_space<vmem>>, %arg11: memref<2x128x128xf32, #tpu.memory_space<vmem>>, %arg12: memref<128xf32, #tpu.memory_space<vmem>>, %arg13: memref<10240x128xf32, #tpu.memory_space<vmem_shared>>, %arg14: memref<10240xf32, #tpu.memory_space<vmem_shared>>, %arg15: memref<!tpu.dma_semaphore, #tpu.memory_space<semaphore_mem>>, %arg16: memref<!tpu.dma_semaphore, #tpu.memory_space<semaphore_mem>>, %arg17: memref<!tpu.dma_semaphore, #tpu.memory_space<semaphore_mem>>, %arg18: memref<!tpu.dma_semaphore, #tpu.memory_space<semaphore_mem>>) attributes {dimension_semantics = [#tpu.dimension_semantics<core_parallel>, #tpu.dimension_semantics<subcore_parallel>], iteration_bounds = array<i64: 2, 16>, scalar_prefetch = 0 : i64, scratch_operands = 10 : i64, tpu.core_type = #tpu.core_type<sc_vector_subcore>, window_params = [{transform_indices = #map}, {transform_indices = #map1}, {transform_indices = #map1}, {transform_indices = #map}, {transform_indices = #map2}, {transform_indices = #map3}, {transform_indices = #map}]} {
    %mul3A = arith.constant 640 : i32
    %mul3A_0 = arith.muli %arg1, %mul3A : i32
    "tpu.region"() ({
      %run_scoped3A_140 = tpu.sem_alloc : memref<!tpu.dma_semaphore, #tpu.memory_space<semaphore_mem>>
      %dma_start3A_141 = arith.constant 0 : i32
      %dma_start3A_142 = tpu.memref_slice %arg13[%mul3A_0, %dma_start3A_141] : memref<10240x128xf32, #tpu.memory_space<vmem_shared>> -> memref<640x128xf32, #tpu.memory_space<vmem_shared>>
      %dma_start3A_143 = arith.constant 0 : i32
      %dma_start3A_144 = tpu.memref_slice %arg5[%mul3A_0, %dma_start3A_143] : memref<10240x128xf32, #tpu.memory_space<hbm>> -> memref<640x128xf32, #tpu.memory_space<hbm>>
      tpu.enqueue_dma source(%dma_start3A_144 : memref<640x128xf32, #tpu.memory_space<hbm>>) target(%dma_start3A_142 : memref<640x128xf32, #tpu.memory_space<vmem_shared>>) target_semaphore(%run_scoped3A_140 : memref<!tpu.dma_semaphore, #tpu.memory_space<semaphore_mem>>)
      %dma_wait3A_145 = arith.constant 0 : i32
      %dma_wait3A_146 = tpu.memref_slice %arg13[%mul3A_0, %dma_wait3A_145] : memref<10240x128xf32, #tpu.memory_space<vmem_shared>> -> memref<640x128xf32, #tpu.memory_space<vmem_shared>>
      %dma_wait3A_147 = arith.constant 0 : i32
      %dma_wait3A_148 = tpu.memref_slice %arg5[%mul3A_0, %dma_wait3A_147] : memref<10240x128xf32, #tpu.memory_space<hbm>> -> memref<640x128xf32, #tpu.memory_space<hbm>>
      tpu.wait_dma2 semaphore(%run_scoped3A_140 : memref<!tpu.dma_semaphore, #tpu.memory_space<semaphore_mem>>) src(%dma_wait3A_148 : memref<640x128xf32, #tpu.memory_space<hbm>>) dst(%dma_wait3A_146 : memref<640x128xf32, #tpu.memory_space<vmem_shared>>)
      tpu.yield
    }) : () -> ()
    "tpu.region"() ({
      %run_scoped3A_140 = tpu.sem_alloc : memref<!tpu.dma_semaphore, #tpu.memory_space<semaphore_mem>>
      %dma_start3A_141 = tpu.memref_slice %arg14[%mul3A_0] : memref<10240xf32, #tpu.memory_space<vmem_shared>> -> memref<640xf32, #tpu.memory_space<vmem_shared>>
      %dma_start3A_142 = tpu.memref_slice %arg6[%mul3A_0] : memref<10240xf32, #tpu.memory_space<hbm>> -> memref<640xf32, #tpu.memory_space<hbm>>
      tpu.enqueue_dma source(%dma_start3A_142 : memref<640xf32, #tpu.memory_space<hbm>>) target(%dma_start3A_141 : memref<640xf32, #tpu.memory_space<vmem_shared>>) target_semaphore(%run_scoped3A_140 : memref<!tpu.dma_semaphore, #tpu.memory_space<semaphore_mem>>)
      %dma_wait3A_143 = tpu.memref_slice %arg14[%mul3A_0] : memref<10240xf32, #tpu.memory_space<vmem_shared>> -> memref<640xf32, #tpu.memory_space<vmem_shared>>
      %dma_wait3A_144 = tpu.memref_slice %arg6[%mul3A_0] : memref<10240xf32, #tpu.memory_space<hbm>> -> memref<640xf32, #tpu.memory_space<hbm>>
      tpu.wait_dma2 semaphore(%run_scoped3A_140 : memref<!tpu.dma_semaphore, #tpu.memory_space<semaphore_mem>>) src(%dma_wait3A_144 : memref<640xf32, #tpu.memory_space<hbm>>) dst(%dma_wait3A_143 : memref<640xf32, #tpu.memory_space<vmem_shared>>)
      tpu.yield
    }) : () -> ()
    %broadcast_in_dim3A = arith.constant 1.000000e+00 : f32
    %broadcast_in_dim3A_1 = vector.broadcast %broadcast_in_dim3A : f32 to vector<16xf32>
    %swap3A = arith.constant 0 : index
    %swap3A_2 = tpu.vector_load %arg12[%swap3A] {strides = array<i32>} : memref<128xf32, #tpu.memory_space<vmem>>, vector<16xf32>,
    %swap3A_3 = vector.shape_cast %swap3A_2 : vector<16xf32> to vector<16xf32>
    %swap3A_4 = vector.shape_cast %broadcast_in_dim3A_1 : vector<16xf32> to vector<16xf32>
    tpu.vector_store %arg12[%swap3A], %swap3A_4 {strides = array<i32>} : memref<128xf32, #tpu.memory_space<vmem>>, vector<16xf32>,
    %broadcast_in_dim3A_5 = arith.constant 1.000000e+00 : f32
    %broadcast_in_dim3A_6 = vector.broadcast %broadcast_in_dim3A_5 : f32 to vector<16xf32>
    %swap3A_7 = arith.constant 16 : index
    %swap3A_8 = tpu.vector_load %arg12[%swap3A_7] {strides = array<i32>} : memref<128xf32, #tpu.memory_space<vmem>>, vector<16xf32>,
    %swap3A_9 = vector.shape_cast %swap3A_8 : vector<16xf32> to vector<16xf32>
    %swap3A_10 = vector.shape_cast %broadcast_in_dim3A_6 : vector<16xf32> to vector<16xf32>
    tpu.vector_store %arg12[%swap3A_7], %swap3A_10 {strides = array<i32>} : memref<128xf32, #tpu.memory_space<vmem>>, vector<16xf32>,
    %broadcast_in_dim3A_11 = arith.constant 1.000000e+00 : f32
    %broadcast_in_dim3A_12 = vector.broadcast %broadcast_in_dim3A_11 : f32 to vector<16xf32>
    %swap3A_13 = arith.constant 32 : index
    %swap3A_14 = tpu.vector_load %arg12[%swap3A_13] {strides = array<i32>} : memref<128xf32, #tpu.memory_space<vmem>>, vector<16xf32>,
    %swap3A_15 = vector.shape_cast %swap3A_14 : vector<16xf32> to vector<16xf32>
    %swap3A_16 = vector.shape_cast %broadcast_in_dim3A_12 : vector<16xf32> to vector<16xf32>
    tpu.vector_store %arg12[%swap3A_13], %swap3A_16 {strides = array<i32>} : memref<128xf32, #tpu.memory_space<vmem>>, vector<16xf32>,
    %broadcast_in_dim3A_17 = arith.constant 1.000000e+00 : f32
    %broadcast_in_dim3A_18 = vector.broadcast %broadcast_in_dim3A_17 : f32 to vector<16xf32>
    %swap3A_19 = arith.constant 48 : index
    %swap3A_20 = tpu.vector_load %arg12[%swap3A_19] {strides = array<i32>} : memref<128xf32, #tpu.memory_space<vmem>>, vector<16xf32>,
    %swap3A_21 = vector.shape_cast %swap3A_20 : vector<16xf32> to vector<16xf32>
    %swap3A_22 = vector.shape_cast %broadcast_in_dim3A_18 : vector<16xf32> to vector<16xf32>
    tpu.vector_store %arg12[%swap3A_19], %swap3A_22 {strides = array<i32>} : memref<128xf32, #tpu.memory_space<vmem>>, vector<16xf32>,
    %broadcast_in_dim3A_23 = arith.constant 1.000000e+00 : f32
    %broadcast_in_dim3A_24 = vector.broadcast %broadcast_in_dim3A_23 : f32 to vector<16xf32>
    %swap3A_25 = arith.constant 64 : index
    %swap3A_26 = tpu.vector_load %arg12[%swap3A_25] {strides = array<i32>} : memref<128xf32, #tpu.memory_space<vmem>>, vector<16xf32>,
    %swap3A_27 = vector.shape_cast %swap3A_26 : vector<16xf32> to vector<16xf32>
    %swap3A_28 = vector.shape_cast %broadcast_in_dim3A_24 : vector<16xf32> to vector<16xf32>
    tpu.vector_store %arg12[%swap3A_25], %swap3A_28 {strides = array<i32>} : memref<128xf32, #tpu.memory_space<vmem>>, vector<16xf32>,
    %broadcast_in_dim3A_29 = arith.constant 1.000000e+00 : f32
    %broadcast_in_dim3A_30 = vector.broadcast %broadcast_in_dim3A_29 : f32 to vector<16xf32>
    %swap3A_31 = arith.constant 80 : index
    %swap3A_32 = tpu.vector_load %arg12[%swap3A_31] {strides = array<i32>} : memref<128xf32, #tpu.memory_space<vmem>>, vector<16xf32>,
    %swap3A_33 = vector.shape_cast %swap3A_32 : vector<16xf32> to vector<16xf32>
    %swap3A_34 = vector.shape_cast %broadcast_in_dim3A_30 : vector<16xf32> to vector<16xf32>
    tpu.vector_store %arg12[%swap3A_31], %swap3A_34 {strides = array<i32>} : memref<128xf32, #tpu.memory_space<vmem>>, vector<16xf32>,
    %broadcast_in_dim3A_35 = arith.constant 1.000000e+00 : f32
    %broadcast_in_dim3A_36 = vector.broadcast %broadcast_in_dim3A_35 : f32 to vector<16xf32>
    %swap3A_37 = arith.constant 96 : index
    %swap3A_38 = tpu.vector_load %arg12[%swap3A_37] {strides = array<i32>} : memref<128xf32, #tpu.memory_space<vmem>>, vector<16xf32>,
    %swap3A_39 = vector.shape_cast %swap3A_38 : vector<16xf32> to vector<16xf32>
    %swap3A_40 = vector.shape_cast %broadcast_in_dim3A_36 : vector<16xf32> to vector<16xf32>
    tpu.vector_store %arg12[%swap3A_37], %swap3A_40 {strides = array<i32>} : memref<128xf32, #tpu.memory_space<vmem>>, vector<16xf32>,
    %broadcast_in_dim3A_41 = arith.constant 1.000000e+00 : f32
    %broadcast_in_dim3A_42 = vector.broadcast %broadcast_in_dim3A_41 : f32 to vector<16xf32>
    %swap3A_43 = arith.constant 112 : index
    %swap3A_44 = tpu.vector_load %arg12[%swap3A_43] {strides = array<i32>} : memref<128xf32, #tpu.memory_space<vmem>>, vector<16xf32>,
    %swap3A_45 = vector.shape_cast %swap3A_44 : vector<16xf32> to vector<16xf32>
    %swap3A_46 = vector.shape_cast %broadcast_in_dim3A_42 : vector<16xf32> to vector<16xf32>
    tpu.vector_store %arg12[%swap3A_43], %swap3A_46 {strides = array<i32>} : memref<128xf32, #tpu.memory_space<vmem>>, vector<16xf32>,
    %barrier3A = arith.constant 0 : index
    tpu.barrier barrier_id(%barrier3A)
    %run_scoped3A = arith.constant 0 : i32
    %run_scoped3A_47 = arith.constant 0 : i32
    "tpu.region"() ({
      %run_scoped3A_140 = tpu.sem_alloc : memref<!tpu.dma_semaphore, #tpu.memory_space<semaphore_mem>>
      %dma_start3A_141 = arith.constant 0 : i32
      %dma_start3A_142 = tpu.memref_slice %arg9[%run_scoped3A_47, %dma_start3A_141] : memref<3x128xi32, #tpu.memory_space<vmem>> -> memref<1x128xi32, #tpu.memory_space<vmem>>
      %dma_start3A_143 = tpu.memref_squeeze %dma_start3A_142 : memref<1x128xi32, #tpu.memory_space<vmem>> -> memref<128xi32, #tpu.memory_space<vmem>>
      %dma_start3A_144 = arith.constant 0 : i32
      %dma_start3A_145 = tpu.memref_slice %arg3[%arg0, %arg1, %run_scoped3A, %dma_start3A_144] : memref<2x16x160x128xi32, #tpu.memory_space<hbm>> -> memref<1x1x1x128xi32, #tpu.memory_space<hbm>>
      %dma_start3A_146 = tpu.memref_squeeze %dma_start3A_145 : memref<1x1x1x128xi32, #tpu.memory_space<hbm>> -> memref<128xi32, #tpu.memory_space<hbm>>
      %dma_start3A_147 = arith.constant 0 : i32
      %dma_start3A_148 = tpu.memref_slice %arg9[%run_scoped3A_47, %dma_start3A_147] : memref<3x128xi32, #tpu.memory_space<vmem>> -> memref<1x128xi32, #tpu.memory_space<vmem>>
      %dma_start3A_149 = tpu.memref_squeeze %dma_start3A_148 : memref<1x128xi32, #tpu.memory_space<vmem>> -> memref<128xi32, #tpu.memory_space<vmem>>
      %dma_start3A_150 = arith.constant 0 : i32
      %dma_start3A_151 = tpu.memref_slice %arg3[%arg0, %arg1, %run_scoped3A, %dma_start3A_150] : memref<2x16x160x128xi32, #tpu.memory_space<hbm>> -> memref<1x1x1x128xi32, #tpu.memory_space<hbm>>
      %dma_start3A_152 = tpu.memref_squeeze %dma_start3A_151 : memref<1x1x1x128xi32, #tpu.memory_space<hbm>> -> memref<128xi32, #tpu.memory_space<hbm>>
      tpu.enqueue_dma source(%dma_start3A_152 : memref<128xi32, #tpu.memory_space<hbm>>) target(%dma_start3A_149 : memref<128xi32, #tpu.memory_space<vmem>>) target_semaphore(%run_scoped3A_140 : memref<!tpu.dma_semaphore, #tpu.memory_space<semaphore_mem>>)
      %dma_wait3A_153 = arith.constant 0 : i32
      %dma_wait3A_154 = tpu.memref_slice %arg9[%run_scoped3A_47, %dma_wait3A_153] : memref<3x128xi32, #tpu.memory_space<vmem>> -> memref<1x128xi32, #tpu.memory_space<vmem>>
      %dma_wait3A_155 = tpu.memref_squeeze %dma_wait3A_154 : memref<1x128xi32, #tpu.memory_space<vmem>> -> memref<128xi32, #tpu.memory_space<vmem>>
      %dma_wait3A_156 = arith.constant 0 : i32
      %dma_wait3A_157 = tpu.memref_slice %arg3[%arg0, %arg1, %run_scoped3A, %dma_wait3A_156] : memref<2x16x160x128xi32, #tpu.memory_space<hbm>> -> memref<1x1x1x128xi32, #tpu.memory_space<hbm>>
      %dma_wait3A_158 = tpu.memref_squeeze %dma_wait3A_157 : memref<1x1x1x128xi32, #tpu.memory_space<hbm>> -> memref<128xi32, #tpu.memory_space<hbm>>
      %dma_wait3A_159 = arith.constant 0 : i32
      %dma_wait3A_160 = tpu.memref_slice %arg9[%run_scoped3A_47, %dma_wait3A_159] : memref<3x128xi32, #tpu.memory_space<vmem>> -> memref<1x128xi32, #tpu.memory_space<vmem>>
      %dma_wait3A_161 = tpu.memref_squeeze %dma_wait3A_160 : memref<1x128xi32, #tpu.memory_space<vmem>> -> memref<128xi32, #tpu.memory_space<vmem>>
      %dma_wait3A_162 = arith.constant 0 : i32
      %dma_wait3A_163 = tpu.memref_slice %arg3[%arg0, %arg1, %run_scoped3A, %dma_wait3A_162] : memref<2x16x160x128xi32, #tpu.memory_space<hbm>> -> memref<1x1x1x128xi32, #tpu.memory_space<hbm>>
      %dma_wait3A_164 = tpu.memref_squeeze %dma_wait3A_163 : memref<1x1x1x128xi32, #tpu.memory_space<hbm>> -> memref<128xi32, #tpu.memory_space<hbm>>
      tpu.wait_dma2 semaphore(%run_scoped3A_140 : memref<!tpu.dma_semaphore, #tpu.memory_space<semaphore_mem>>) src(%dma_wait3A_164 : memref<128xi32, #tpu.memory_space<hbm>>) dst(%dma_wait3A_161 : memref<128xi32, #tpu.memory_space<vmem>>)
      tpu.yield
    }) : () -> ()
    %run_scoped3A_48 = arith.constant 0 : i32
    %run_scoped3A_49 = arith.constant 0 : i32
    "tpu.region"() ({
      %run_scoped3A_140 = tpu.sem_alloc : memref<!tpu.dma_semaphore, #tpu.memory_space<semaphore_mem>>
      %dma_start3A_141 = arith.constant 0 : i32
      %dma_start3A_142 = tpu.memref_slice %arg10[%run_scoped3A_49, %dma_start3A_141] : memref<3x128xi32, #tpu.memory_space<vmem>> -> memref<1x128xi32, #tpu.memory_space<vmem>>
      %dma_start3A_143 = tpu.memref_squeeze %dma_start3A_142 : memref<1x128xi32, #tpu.memory_space<vmem>> -> memref<128xi32, #tpu.memory_space<vmem>>
      %dma_start3A_144 = arith.constant 0 : i32
      %dma_start3A_145 = tpu.memref_slice %arg4[%arg0, %arg1, %run_scoped3A_48, %dma_start3A_144] : memref<2x16x160x128xi32, #tpu.memory_space<hbm>> -> memref<1x1x1x128xi32, #tpu.memory_space<hbm>>
      %dma_start3A_146 = tpu.memref_squeeze %dma_start3A_145 : memref<1x1x1x128xi32, #tpu.memory_space<hbm>> -> memref<128xi32, #tpu.memory_space<hbm>>
      %dma_start3A_147 = arith.constant 0 : i32
      %dma_start3A_148 = tpu.memref_slice %arg10[%run_scoped3A_49, %dma_start3A_147] : memref<3x128xi32, #tpu.memory_space<vmem>> -> memref<1x128xi32, #tpu.memory_space<vmem>>
      %dma_start3A_149 = tpu.memref_squeeze %dma_start3A_148 : memref<1x128xi32, #tpu.memory_space<vmem>> -> memref<128xi32, #tpu.memory_space<vmem>>
      %dma_start3A_150 = arith.constant 0 : i32
      %dma_start3A_151 = tpu.memref_slice %arg4[%arg0, %arg1, %run_scoped3A_48, %dma_start3A_150] : memref<2x16x160x128xi32, #tpu.memory_space<hbm>> -> memref<1x1x1x128xi32, #tpu.memory_space<hbm>>
      %dma_start3A_152 = tpu.memref_squeeze %dma_start3A_151 : memref<1x1x1x128xi32, #tpu.memory_space<hbm>> -> memref<128xi32, #tpu.memory_space<hbm>>
      tpu.enqueue_dma source(%dma_start3A_152 : memref<128xi32, #tpu.memory_space<hbm>>) target(%dma_start3A_149 : memref<128xi32, #tpu.memory_space<vmem>>) target_semaphore(%run_scoped3A_140 : memref<!tpu.dma_semaphore, #tpu.memory_space<semaphore_mem>>)
      %dma_wait3A_153 = arith.constant 0 : i32
      %dma_wait3A_154 = tpu.memref_slice %arg10[%run_scoped3A_49, %dma_wait3A_153] : memref<3x128xi32, #tpu.memory_space<vmem>> -> memref<1x128xi32, #tpu.memory_space<vmem>>
      %dma_wait3A_155 = tpu.memref_squeeze %dma_wait3A_154 : memref<1x128xi32, #tpu.memory_space<vmem>> -> memref<128xi32, #tpu.memory_space<vmem>>
      %dma_wait3A_156 = arith.constant 0 : i32
      %dma_wait3A_157 = tpu.memref_slice %arg4[%arg0, %arg1, %run_scoped3A_48, %dma_wait3A_156] : memref<2x16x160x128xi32, #tpu.memory_space<hbm>> -> memref<1x1x1x128xi32, #tpu.memory_space<hbm>>
      %dma_wait3A_158 = tpu.memref_squeeze %dma_wait3A_157 : memref<1x1x1x128xi32, #tpu.memory_space<hbm>> -> memref<128xi32, #tpu.memory_space<hbm>>
      %dma_wait3A_159 = arith.constant 0 : i32
      %dma_wait3A_160 = tpu.memref_slice %arg10[%run_scoped3A_49, %dma_wait3A_159] : memref<3x128xi32, #tpu.memory_space<vmem>> -> memref<1x128xi32, #tpu.memory_space<vmem>>
      %dma_wait3A_161 = tpu.memref_squeeze %dma_wait3A_160 : memref<1x128xi32, #tpu.memory_space<vmem>> -> memref<128xi32, #tpu.memory_space<vmem>>
      %dma_wait3A_162 = arith.constant 0 : i32
      %dma_wait3A_163 = tpu.memref_slice %arg4[%arg0, %arg1, %run_scoped3A_48, %dma_wait3A_162] : memref<2x16x160x128xi32, #tpu.memory_space<hbm>> -> memref<1x1x1x128xi32, #tpu.memory_space<hbm>>
      %dma_wait3A_164 = tpu.memref_squeeze %dma_wait3A_163 : memref<1x1x1x128xi32, #tpu.memory_space<hbm>> -> memref<128xi32, #tpu.memory_space<hbm>>
      tpu.wait_dma2 semaphore(%run_scoped3A_140 : memref<!tpu.dma_semaphore, #tpu.memory_space<semaphore_mem>>) src(%dma_wait3A_164 : memref<128xi32, #tpu.memory_space<hbm>>) dst(%dma_wait3A_161 : memref<128xi32, #tpu.memory_space<vmem>>)
      tpu.yield
    }) : () -> ()
    %dma_start3A = arith.constant 1 : i32
    %dma_start3A_50 = arith.constant 1 : i32
    %dma_start3A_51 = arith.constant 0 : i32
    %dma_start3A_52 = tpu.memref_slice %arg9[%dma_start3A_50, %dma_start3A_51] : memref<3x128xi32, #tpu.memory_space<vmem>> -> memref<1x128xi32, #tpu.memory_space<vmem>>
    %dma_start3A_53 = tpu.memref_squeeze %dma_start3A_52 : memref<1x128xi32, #tpu.memory_space<vmem>> -> memref<128xi32, #tpu.memory_space<vmem>>
    %dma_start3A_54 = arith.constant 0 : i32
    %dma_start3A_55 = tpu.memref_slice %arg3[%arg0, %arg1, %dma_start3A, %dma_start3A_54] : memref<2x16x160x128xi32, #tpu.memory_space<hbm>> -> memref<1x1x1x128xi32, #tpu.memory_space<hbm>>
    %dma_start3A_56 = tpu.memref_squeeze %dma_start3A_55 : memref<1x1x1x128xi32, #tpu.memory_space<hbm>> -> memref<128xi32, #tpu.memory_space<hbm>>
    %dma_start3A_57 = arith.constant 0 : i32
    %dma_start3A_58 = tpu.memref_slice %arg9[%dma_start3A_50, %dma_start3A_57] : memref<3x128xi32, #tpu.memory_space<vmem>> -> memref<1x128xi32, #tpu.memory_space<vmem>>
    %dma_start3A_59 = tpu.memref_squeeze %dma_start3A_58 : memref<1x128xi32, #tpu.memory_space<vmem>> -> memref<128xi32, #tpu.memory_space<vmem>>
    %dma_start3A_60 = arith.constant 0 : i32
    %dma_start3A_61 = tpu.memref_slice %arg3[%arg0, %arg1, %dma_start3A, %dma_start3A_60] : memref<2x16x160x128xi32, #tpu.memory_space<hbm>> -> memref<1x1x1x128xi32, #tpu.memory_space<hbm>>
    %dma_start3A_62 = tpu.memref_squeeze %dma_start3A_61 : memref<1x1x1x128xi32, #tpu.memory_space<hbm>> -> memref<128xi32, #tpu.memory_space<hbm>>
    tpu.enqueue_dma source(%dma_start3A_62 : memref<128xi32, #tpu.memory_space<hbm>>) target(%dma_start3A_59 : memref<128xi32, #tpu.memory_space<vmem>>) target_semaphore(%arg16 : memref<!tpu.dma_semaphore, #tpu.memory_space<semaphore_mem>>)
    %dma_start3A_63 = arith.constant 1 : i32
    %dma_start3A_64 = arith.constant 1 : i32
    %dma_start3A_65 = arith.constant 0 : i32
    %dma_start3A_66 = tpu.memref_slice %arg10[%dma_start3A_64, %dma_start3A_65] : memref<3x128xi32, #tpu.memory_space<vmem>> -> memref<1x128xi32, #tpu.memory_space<vmem>>
    %dma_start3A_67 = tpu.memref_squeeze %dma_start3A_66 : memref<1x128xi32, #tpu.memory_space<vmem>> -> memref<128xi32, #tpu.memory_space<vmem>>
    %dma_start3A_68 = arith.constant 0 : i32
    %dma_start3A_69 = tpu.memref_slice %arg4[%arg0, %arg1, %dma_start3A_63, %dma_start3A_68] : memref<2x16x160x128xi32, #tpu.memory_space<hbm>> -> memref<1x1x1x128xi32, #tpu.memory_space<hbm>>
    %dma_start3A_70 = tpu.memref_squeeze %dma_start3A_69 : memref<1x1x1x128xi32, #tpu.memory_space<hbm>> -> memref<128xi32, #tpu.memory_space<hbm>>
    %dma_start3A_71 = arith.constant 0 : i32
    %dma_start3A_72 = tpu.memref_slice %arg10[%dma_start3A_64, %dma_start3A_71] : memref<3x128xi32, #tpu.memory_space<vmem>> -> memref<1x128xi32, #tpu.memory_space<vmem>>
    %dma_start3A_73 = tpu.memref_squeeze %dma_start3A_72 : memref<1x128xi32, #tpu.memory_space<vmem>> -> memref<128xi32, #tpu.memory_space<vmem>>
    %dma_start3A_74 = arith.constant 0 : i32
    %dma_start3A_75 = tpu.memref_slice %arg4[%arg0, %arg1, %dma_start3A_63, %dma_start3A_74] : memref<2x16x160x128xi32, #tpu.memory_space<hbm>> -> memref<1x1x1x128xi32, #tpu.memory_space<hbm>>
    %dma_start3A_76 = tpu.memref_squeeze %dma_start3A_75 : memref<1x1x1x128xi32, #tpu.memory_space<hbm>> -> memref<128xi32, #tpu.memory_space<hbm>>
    tpu.enqueue_dma source(%dma_start3A_76 : memref<128xi32, #tpu.memory_space<hbm>>) target(%dma_start3A_73 : memref<128xi32, #tpu.memory_space<vmem>>) target_semaphore(%arg16 : memref<!tpu.dma_semaphore, #tpu.memory_space<semaphore_mem>>)
    %dma_start3A_77 = arith.constant 0 : i32
    %dma_start3A_78 = arith.constant 0 : i32
    %dma_start3A_79 = arith.constant 0 : i32
    %dma_start3A_80 = arith.constant 0 : i32
    %dma_start3A_81 = tpu.memref_slice %arg11[%dma_start3A_78, %dma_start3A_79, %dma_start3A_80] : memref<2x128x128xf32, #tpu.memory_space<vmem>> -> memref<1x128x128xf32, #tpu.memory_space<vmem>>
    %dma_start3A_82 = tpu.memref_squeeze %dma_start3A_81 : memref<1x128x128xf32, #tpu.memory_space<vmem>> -> memref<128x128xf32, #tpu.memory_space<vmem>>
    %dma_start3A_83 = arith.constant 0 : i32
    %dma_start3A_84 = tpu.memref_slice %arg9[%dma_start3A_77, %dma_start3A_83] : memref<3x128xi32, #tpu.memory_space<vmem>> -> memref<1x128xi32, #tpu.memory_space<vmem>>
    %dma_start3A_85 = tpu.memref_squeeze %dma_start3A_84 : memref<1x128xi32, #tpu.memory_space<vmem>> -> memref<128xi32, #tpu.memory_space<vmem>>
    %dma_start3A_86 = arith.constant 0 : i32
    %dma_start3A_87 = arith.constant 0 : i32
    %dma_start3A_88 = tpu.memref_slice %arg2[%dma_start3A_86, %dma_start3A_87] : memref<20480x128xf32, #tpu.memory_space<hbm>> -> memref<20480x128xf32, #tpu.memory_space<hbm>>
    tpu.enqueue_indirect_dma source(%dma_start3A_88 : memref<20480x128xf32, #tpu.memory_space<hbm>>) target(%dma_start3A_82 : memref<128x128xf32, #tpu.memory_space<vmem>>) offsets(%dma_start3A_85 : memref<128xi32, #tpu.memory_space<vmem>>) semaphore(%arg15 : memref<!tpu.dma_semaphore, #tpu.memory_space<semaphore_mem>>)
    %scan3A = arith.constant 0 : i32
    %scan3A_89 = arith.constant 0 : i32
    %scan3A_90 = arith.constant 160 : i32
    %scan3A_91 = arith.addi %scan3A_89, %scan3A_90 : i32
    %scan3A_92 = arith.constant 1 : i32
    scf.for %scan3A_140 = %scan3A_89 to %scan3A_91 step %scan3A_92  : i32 {
      %gt3A = arith.constant 0 : i32
      %gt3A_141 = arith.cmpi sgt, %scan3A_140, %gt3A : i32
      %convert_element_type3A = arith.extui %gt3A_141 : i1 to i32
      %cond3A = arith.constant 0 : i32
      %cond3A_142 = arith.cmpi ne, %convert_element_type3A, %cond3A : i32
      scf.if %cond3A_142 {
        %dma_wait3A_289 = arith.constant 0 : i32
        %dma_wait3A_290 = arith.constant 0 : i32
        %dma_wait3A_291 = arith.constant 0 : i32
        %dma_wait3A_292 = arith.constant 0 : i32
        %dma_wait3A_293 = tpu.memref_slice %arg11[%dma_wait3A_289, %dma_wait3A_291, %dma_wait3A_292] : memref<2x128x128xf32, #tpu.memory_space<vmem>> -> memref<1x128x128xf32, #tpu.memory_space<vmem>>
        %dma_wait3A_294 = tpu.memref_squeeze %dma_wait3A_293 : memref<1x128x128xf32, #tpu.memory_space<vmem>> -> memref<128x128xf32, #tpu.memory_space<vmem>>
        %dma_wait3A_295 = arith.constant 0 : i32
        %dma_wait3A_296 = tpu.memref_slice %arg10[%dma_wait3A_290, %dma_wait3A_295] : memref<3x128xi32, #tpu.memory_space<vmem>> -> memref<1x128xi32, #tpu.memory_space<vmem>>
        %dma_wait3A_297 = tpu.memref_squeeze %dma_wait3A_296 : memref<1x128xi32, #tpu.memory_space<vmem>> -> memref<128xi32, #tpu.memory_space<vmem>>
        %dma_wait3A_298 = arith.constant 0 : i32
        %dma_wait3A_299 = arith.constant 0 : i32
        %dma_wait3A_300 = tpu.memref_slice %arg13[%dma_wait3A_298, %dma_wait3A_299] : memref<10240x128xf32, #tpu.memory_space<vmem_shared>> -> memref<10240x128xf32, #tpu.memory_space<vmem_shared>>
        tpu.wait_indirect_dma semaphore(%arg17 : memref<!tpu.dma_semaphore, #tpu.memory_space<semaphore_mem>>) src(%dma_wait3A_294 : memref<128x128xf32, #tpu.memory_space<vmem>>) dst(%dma_wait3A_300 : memref<10240x128xf32, #tpu.memory_space<vmem_shared>>)
        %dma_wait3A_301 = arith.constant 0 : i32
        %dma_wait3A_302 = arith.constant 0 : i32
        %dma_wait3A_303 = tpu.memref_slice %arg10[%dma_wait3A_301, %dma_wait3A_302] : memref<3x128xi32, #tpu.memory_space<vmem>> -> memref<1x128xi32, #tpu.memory_space<vmem>>
        %dma_wait3A_304 = tpu.memref_squeeze %dma_wait3A_303 : memref<1x128xi32, #tpu.memory_space<vmem>> -> memref<128xi32, #tpu.memory_space<vmem>>
        %dma_wait3A_305 = arith.constant 0 : i32
        %dma_wait3A_306 = tpu.memref_slice %arg14[%dma_wait3A_305] : memref<10240xf32, #tpu.memory_space<vmem_shared>> -> memref<10240xf32, #tpu.memory_space<vmem_shared>>
        tpu.wait_indirect_dma semaphore(%arg18 : memref<!tpu.dma_semaphore, #tpu.memory_space<semaphore_mem>>) src(%arg12 : memref<128xf32, #tpu.memory_space<vmem>>) dst(%dma_wait3A_306 : memref<10240xf32, #tpu.memory_space<vmem_shared>>)
      } else {
      }
      %dma_wait3A_143 = arith.constant 0 : i32
      %dma_wait3A_144 = arith.constant 0 : i32
      %dma_wait3A_145 = arith.constant 0 : i32
      %dma_wait3A_146 = tpu.memref_slice %arg9[%dma_wait3A_144, %dma_wait3A_145] : memref<3x128xi32, #tpu.memory_space<vmem>> -> memref<1x128xi32, #tpu.memory_space<vmem>>
      %dma_wait3A_147 = tpu.memref_squeeze %dma_wait3A_146 : memref<1x128xi32, #tpu.memory_space<vmem>> -> memref<128xi32, #tpu.memory_space<vmem>>
      %dma_wait3A_148 = arith.constant 0 : i32
      %dma_wait3A_149 = tpu.memref_slice %arg3[%arg0, %arg1, %dma_wait3A_143, %dma_wait3A_148] : memref<2x16x160x128xi32, #tpu.memory_space<hbm>> -> memref<1x1x1x128xi32, #tpu.memory_space<hbm>>
      %dma_wait3A_150 = tpu.memref_squeeze %dma_wait3A_149 : memref<1x1x1x128xi32, #tpu.memory_space<hbm>> -> memref<128xi32, #tpu.memory_space<hbm>>
      %dma_wait3A_151 = arith.constant 0 : i32
      %dma_wait3A_152 = tpu.memref_slice %arg9[%dma_wait3A_144, %dma_wait3A_151] : memref<3x128xi32, #tpu.memory_space<vmem>> -> memref<1x128xi32, #tpu.memory_space<vmem>>
      %dma_wait3A_153 = tpu.memref_squeeze %dma_wait3A_152 : memref<1x128xi32, #tpu.memory_space<vmem>> -> memref<128xi32, #tpu.memory_space<vmem>>
      %dma_wait3A_154 = arith.constant 0 : i32
      %dma_wait3A_155 = tpu.memref_slice %arg3[%arg0, %arg1, %dma_wait3A_143, %dma_wait3A_154] : memref<2x16x160x128xi32, #tpu.memory_space<hbm>> -> memref<1x1x1x128xi32, #tpu.memory_space<hbm>>
      %dma_wait3A_156 = tpu.memref_squeeze %dma_wait3A_155 : memref<1x1x1x128xi32, #tpu.memory_space<hbm>> -> memref<128xi32, #tpu.memory_space<hbm>>
      tpu.wait_dma2 semaphore(%arg16 : memref<!tpu.dma_semaphore, #tpu.memory_space<semaphore_mem>>) src(%dma_wait3A_156 : memref<128xi32, #tpu.memory_space<hbm>>) dst(%dma_wait3A_153 : memref<128xi32, #tpu.memory_space<vmem>>)
      %dma_wait3A_157 = arith.constant 0 : i32
      %dma_wait3A_158 = arith.constant 0 : i32
      %dma_wait3A_159 = arith.constant 0 : i32
      %dma_wait3A_160 = tpu.memref_slice %arg10[%dma_wait3A_158, %dma_wait3A_159] : memref<3x128xi32, #tpu.memory_space<vmem>> -> memref<1x128xi32, #tpu.memory_space<vmem>>
      %dma_wait3A_161 = tpu.memref_squeeze %dma_wait3A_160 : memref<1x128xi32, #tpu.memory_space<vmem>> -> memref<128xi32, #tpu.memory_space<vmem>>
      %dma_wait3A_162 = arith.constant 0 : i32
      %dma_wait3A_163 = tpu.memref_slice %arg4[%arg0, %arg1, %dma_wait3A_157, %dma_wait3A_162] : memref<2x16x160x128xi32, #tpu.memory_space<hbm>> -> memref<1x1x1x128xi32, #tpu.memory_space<hbm>>
      %dma_wait3A_164 = tpu.memref_squeeze %dma_wait3A_163 : memref<1x1x1x128xi32, #tpu.memory_space<hbm>> -> memref<128xi32, #tpu.memory_space<hbm>>
      %dma_wait3A_165 = arith.constant 0 : i32
      %dma_wait3A_166 = tpu.memref_slice %arg10[%dma_wait3A_158, %dma_wait3A_165] : memref<3x128xi32, #tpu.memory_space<vmem>> -> memref<1x128xi32, #tpu.memory_space<vmem>>
      %dma_wait3A_167 = tpu.memref_squeeze %dma_wait3A_166 : memref<1x128xi32, #tpu.memory_space<vmem>> -> memref<128xi32, #tpu.memory_space<vmem>>
      %dma_wait3A_168 = arith.constant 0 : i32
      %dma_wait3A_169 = tpu.memref_slice %arg4[%arg0, %arg1, %dma_wait3A_157, %dma_wait3A_168] : memref<2x16x160x128xi32, #tpu.memory_space<hbm>> -> memref<1x1x1x128xi32, #tpu.memory_space<hbm>>
      %dma_wait3A_170 = tpu.memref_squeeze %dma_wait3A_169 : memref<1x1x1x128xi32, #tpu.memory_space<hbm>> -> memref<128xi32, #tpu.memory_space<hbm>>
      tpu.wait_dma2 semaphore(%arg16 : memref<!tpu.dma_semaphore, #tpu.memory_space<semaphore_mem>>) src(%dma_wait3A_170 : memref<128xi32, #tpu.memory_space<hbm>>) dst(%dma_wait3A_167 : memref<128xi32, #tpu.memory_space<vmem>>)
      %add3A = arith.constant 2 : i32
      %add3A_171 = arith.addi %scan3A_140, %add3A : i32
      %jit3A = arith.constant 160 : i32
      %eq3A = arith.constant 0 : i32
      %eq3A_172 = arith.cmpi eq, %jit3A, %eq3A : i32
      %jit3A_173 = arith.constant 1 : i32
      %select_n3A = arith.select %eq3A_172, %jit3A_173, %jit3A : i32
      %rem3A = arith.remsi %add3A_171, %select_n3A : i32
      %ne3A = arith.constant 0 : i32
      %ne3A_174 = arith.cmpi ne, %rem3A, %ne3A : i32
      %lt3A = arith.constant 0 : i32
      %lt3A_175 = arith.cmpi slt, %rem3A, %lt3A : i32
      %lt3A_176 = arith.constant 0 : i32
      %lt3A_177 = arith.cmpi slt, %select_n3A, %lt3A_176 : i32
      %ne3A_178 = arith.xori %lt3A_175, %lt3A_177 : i1
      %and3A = arith.andi %ne3A_178, %ne3A_174 : i1
      %add3A_179 = arith.addi %rem3A, %select_n3A : i32
      %select_n3A_180 = arith.select %and3A, %add3A_179, %rem3A : i32
      %add3A_181 = arith.constant 2 : i32
      %add3A_182 = arith.addi %scan3A_140, %add3A_181 : i32
      %jit3A_183 = arith.constant 3 : i32
      %eq3A_184 = arith.constant 0 : i32
      %eq3A_185 = arith.cmpi eq, %jit3A_183, %eq3A_184 : i32
      %jit3A_186 = arith.constant 1 : i32
      %select_n3A_187 = arith.select %eq3A_185, %jit3A_186, %jit3A_183 : i32
      %rem3A_188 = arith.remsi %add3A_182, %select_n3A_187 : i32
      %ne3A_189 = arith.constant 0 : i32
      %ne3A_190 = arith.cmpi ne, %rem3A_188, %ne3A_189 : i32
      %lt3A_191 = arith.constant 0 : i32
      %lt3A_192 = arith.cmpi slt, %rem3A_188, %lt3A_191 : i32
      %lt3A_193 = arith.constant 0 : i32
      %lt3A_194 = arith.cmpi slt, %select_n3A_187, %lt3A_193 : i32
      %ne3A_195 = arith.xori %lt3A_192, %lt3A_194 : i1
      %and3A_196 = arith.andi %ne3A_195, %ne3A_190 : i1
      %add3A_197 = arith.addi %rem3A_188, %select_n3A_187 : i32
      %select_n3A_198 = arith.select %and3A_196, %add3A_197, %rem3A_188 : i32
      %dma_start3A_199 = arith.constant 0 : i32
      %dma_start3A_200 = tpu.memref_slice %arg9[%select_n3A_198, %dma_start3A_199] : memref<3x128xi32, #tpu.memory_space<vmem>> -> memref<1x128xi32, #tpu.memory_space<vmem>>
      %dma_start3A_201 = tpu.memref_squeeze %dma_start3A_200 : memref<1x128xi32, #tpu.memory_space<vmem>> -> memref<128xi32, #tpu.memory_space<vmem>>
      %dma_start3A_202 = arith.constant 0 : i32
      %dma_start3A_203 = tpu.memref_slice %arg3[%arg0, %arg1, %select_n3A_180, %dma_start3A_202] : memref<2x16x160x128xi32, #tpu.memory_space<hbm>> -> memref<1x1x1x128xi32, #tpu.memory_space<hbm>>
      %dma_start3A_204 = tpu.memref_squeeze %dma_start3A_203 : memref<1x1x1x128xi32, #tpu.memory_space<hbm>> -> memref<128xi32, #tpu.memory_space<hbm>>
      %dma_start3A_205 = arith.constant 0 : i32
      %dma_start3A_206 = tpu.memref_slice %arg9[%select_n3A_198, %dma_start3A_205] : memref<3x128xi32, #tpu.memory_space<vmem>> -> memref<1x128xi32, #tpu.memory_space<vmem>>
      %dma_start3A_207 = tpu.memref_squeeze %dma_start3A_206 : memref<1x128xi32, #tpu.memory_space<vmem>> -> memref<128xi32, #tpu.memory_space<vmem>>
      %dma_start3A_208 = arith.constant 0 : i32
      %dma_start3A_209 = tpu.memref_slice %arg3[%arg0, %arg1, %select_n3A_180, %dma_start3A_208] : memref<2x16x160x128xi32, #tpu.memory_space<hbm>> -> memref<1x1x1x128xi32, #tpu.memory_space<hbm>>
      %dma_start3A_210 = tpu.memref_squeeze %dma_start3A_209 : memref<1x1x1x128xi32, #tpu.memory_space<hbm>> -> memref<128xi32, #tpu.memory_space<hbm>>
      tpu.enqueue_dma source(%dma_start3A_210 : memref<128xi32, #tpu.memory_space<hbm>>) target(%dma_start3A_207 : memref<128xi32, #tpu.memory_space<vmem>>) target_semaphore(%arg16 : memref<!tpu.dma_semaphore, #tpu.memory_space<semaphore_mem>>)
      %dma_start3A_211 = arith.constant 0 : i32
      %dma_start3A_212 = tpu.memref_slice %arg10[%select_n3A_198, %dma_start3A_211] : memref<3x128xi32, #tpu.memory_space<vmem>> -> memref<1x128xi32, #tpu.memory_space<vmem>>
      %dma_start3A_213 = tpu.memref_squeeze %dma_start3A_212 : memref<1x128xi32, #tpu.memory_space<vmem>> -> memref<128xi32, #tpu.memory_space<vmem>>
      %dma_start3A_214 = arith.constant 0 : i32
      %dma_start3A_215 = tpu.memref_slice %arg4[%arg0, %arg1, %select_n3A_180, %dma_start3A_214] : memref<2x16x160x128xi32, #tpu.memory_space<hbm>> -> memref<1x1x1x128xi32, #tpu.memory_space<hbm>>
      %dma_start3A_216 = tpu.memref_squeeze %dma_start3A_215 : memref<1x1x1x128xi32, #tpu.memory_space<hbm>> -> memref<128xi32, #tpu.memory_space<hbm>>
      %dma_start3A_217 = arith.constant 0 : i32
      %dma_start3A_218 = tpu.memref_slice %arg10[%select_n3A_198, %dma_start3A_217] : memref<3x128xi32, #tpu.memory_space<vmem>> -> memref<1x128xi32, #tpu.memory_space<vmem>>
      %dma_start3A_219 = tpu.memref_squeeze %dma_start3A_218 : memref<1x128xi32, #tpu.memory_space<vmem>> -> memref<128xi32, #tpu.memory_space<vmem>>
      %dma_start3A_220 = arith.constant 0 : i32
      %dma_start3A_221 = tpu.memref_slice %arg4[%arg0, %arg1, %select_n3A_180, %dma_start3A_220] : memref<2x16x160x128xi32, #tpu.memory_space<hbm>> -> memref<1x1x1x128xi32, #tpu.memory_space<hbm>>
      %dma_start3A_222 = tpu.memref_squeeze %dma_start3A_221 : memref<1x1x1x128xi32, #tpu.memory_space<hbm>> -> memref<128xi32, #tpu.memory_space<hbm>>
      tpu.enqueue_dma source(%dma_start3A_222 : memref<128xi32, #tpu.memory_space<hbm>>) target(%dma_start3A_219 : memref<128xi32, #tpu.memory_space<vmem>>) target_semaphore(%arg16 : memref<!tpu.dma_semaphore, #tpu.memory_space<semaphore_mem>>)
      %dma_wait3A_223 = arith.constant 0 : i32
      %dma_wait3A_224 = arith.constant 0 : i32
      %dma_wait3A_225 = arith.constant 0 : i32
      %dma_wait3A_226 = arith.constant 0 : i32
      %dma_wait3A_227 = tpu.memref_slice %arg11[%dma_wait3A_224, %dma_wait3A_225, %dma_wait3A_226] : memref<2x128x128xf32, #tpu.memory_space<vmem>> -> memref<1x128x128xf32, #tpu.memory_space<vmem>>
      %dma_wait3A_228 = tpu.memref_squeeze %dma_wait3A_227 : memref<1x128x128xf32, #tpu.memory_space<vmem>> -> memref<128x128xf32, #tpu.memory_space<vmem>>
      %dma_wait3A_229 = arith.constant 0 : i32
      %dma_wait3A_230 = tpu.memref_slice %arg9[%dma_wait3A_223, %dma_wait3A_229] : memref<3x128xi32, #tpu.memory_space<vmem>> -> memref<1x128xi32, #tpu.memory_space<vmem>>
      %dma_wait3A_231 = tpu.memref_squeeze %dma_wait3A_230 : memref<1x128xi32, #tpu.memory_space<vmem>> -> memref<128xi32, #tpu.memory_space<vmem>>
      %dma_wait3A_232 = arith.constant 0 : i32
      %dma_wait3A_233 = arith.constant 0 : i32
      %dma_wait3A_234 = tpu.memref_slice %arg2[%dma_wait3A_232, %dma_wait3A_233] : memref<20480x128xf32, #tpu.memory_space<hbm>> -> memref<20480x128xf32, #tpu.memory_space<hbm>>
      tpu.wait_indirect_dma semaphore(%arg15 : memref<!tpu.dma_semaphore, #tpu.memory_space<semaphore_mem>>) src(%dma_wait3A_234 : memref<20480x128xf32, #tpu.memory_space<hbm>>) dst(%dma_wait3A_228 : memref<128x128xf32, #tpu.memory_space<vmem>>)
      %add3A_235 = arith.constant 1 : i32
      %add3A_236 = arith.addi %scan3A_140, %add3A_235 : i32
      %lt3A_237 = arith.constant 160 : i32
      %lt3A_238 = arith.cmpi slt, %add3A_236, %lt3A_237 : i32
      %convert_element_type3A_239 = arith.extui %lt3A_238 : i1 to i32
      %cond3A_240 = arith.constant 0 : i32
      %cond3A_241 = arith.cmpi ne, %convert_element_type3A_239, %cond3A_240 : i32
      scf.if %cond3A_241 {
        %add3A_289 = arith.constant 1 : i32
        %add3A_290 = arith.addi %scan3A_140, %add3A_289 : i32
        %jit3A_291 = arith.constant 3 : i32
        %eq3A_292 = arith.constant 0 : i32
        %eq3A_293 = arith.cmpi eq, %jit3A_291, %eq3A_292 : i32
        %jit3A_294 = arith.constant 1 : i32
        %select_n3A_295 = arith.select %eq3A_293, %jit3A_294, %jit3A_291 : i32
        %rem3A_296 = arith.remsi %add3A_290, %select_n3A_295 : i32
        %ne3A_297 = arith.constant 0 : i32
        %ne3A_298 = arith.cmpi ne, %rem3A_296, %ne3A_297 : i32
        %lt3A_299 = arith.constant 0 : i32
        %lt3A_300 = arith.cmpi slt, %rem3A_296, %lt3A_299 : i32
        %lt3A_301 = arith.constant 0 : i32
        %lt3A_302 = arith.cmpi slt, %select_n3A_295, %lt3A_301 : i32
        %ne3A_303 = arith.xori %lt3A_300, %lt3A_302 : i1
        %and3A_304 = arith.andi %ne3A_303, %ne3A_298 : i1
        %add3A_305 = arith.addi %rem3A_296, %select_n3A_295 : i32
        %select_n3A_306 = arith.select %and3A_304, %add3A_305, %rem3A_296 : i32
        %add3A_307 = arith.constant 1 : i32
        %add3A_308 = arith.addi %scan3A_140, %add3A_307 : i32
        %jit3A_309 = arith.constant 2 : i32
        %eq3A_310 = arith.constant 0 : i32
        %eq3A_311 = arith.cmpi eq, %jit3A_309, %eq3A_310 : i32
        %jit3A_312 = arith.constant 1 : i32
        %select_n3A_313 = arith.select %eq3A_311, %jit3A_312, %jit3A_309 : i32
        %rem3A_314 = arith.remsi %add3A_308, %select_n3A_313 : i32
        %ne3A_315 = arith.constant 0 : i32
        %ne3A_316 = arith.cmpi ne, %rem3A_314, %ne3A_315 : i32
        %lt3A_317 = arith.constant 0 : i32
        %lt3A_318 = arith.cmpi slt, %rem3A_314, %lt3A_317 : i32
        %lt3A_319 = arith.constant 0 : i32
        %lt3A_320 = arith.cmpi slt, %select_n3A_313, %lt3A_319 : i32
        %ne3A_321 = arith.xori %lt3A_318, %lt3A_320 : i1
        %and3A_322 = arith.andi %ne3A_321, %ne3A_316 : i1
        %add3A_323 = arith.addi %rem3A_314, %select_n3A_313 : i32
        %select_n3A_324 = arith.select %and3A_322, %add3A_323, %rem3A_314 : i32
        %dma_start3A_325 = arith.constant 0 : i32
        %dma_start3A_326 = arith.constant 0 : i32
        %dma_start3A_327 = tpu.memref_slice %arg11[%select_n3A_324, %dma_start3A_325, %dma_start3A_326] : memref<2x128x128xf32, #tpu.memory_space<vmem>> -> memref<1x128x128xf32, #tpu.memory_space<vmem>>
        %dma_start3A_328 = tpu.memref_squeeze %dma_start3A_327 : memref<1x128x128xf32, #tpu.memory_space<vmem>> -> memref<128x128xf32, #tpu.memory_space<vmem>>
        %dma_start3A_329 = arith.constant 0 : i32
        %dma_start3A_330 = tpu.memref_slice %arg9[%select_n3A_306, %dma_start3A_329] : memref<3x128xi32, #tpu.memory_space<vmem>> -> memref<1x128xi32, #tpu.memory_space<vmem>>
        %dma_start3A_331 = tpu.memref_squeeze %dma_start3A_330 : memref<1x128xi32, #tpu.memory_space<vmem>> -> memref<128xi32, #tpu.memory_space<vmem>>
        %dma_start3A_332 = arith.constant 0 : i32
        %dma_start3A_333 = arith.constant 0 : i32
        %dma_start3A_334 = tpu.memref_slice %arg2[%dma_start3A_332, %dma_start3A_333] : memref<20480x128xf32, #tpu.memory_space<hbm>> -> memref<20480x128xf32, #tpu.memory_space<hbm>>
        tpu.enqueue_indirect_dma source(%dma_start3A_334 : memref<20480x128xf32, #tpu.memory_space<hbm>>) target(%dma_start3A_328 : memref<128x128xf32, #tpu.memory_space<vmem>>) offsets(%dma_start3A_331 : memref<128xi32, #tpu.memory_space<vmem>>) semaphore(%arg15 : memref<!tpu.dma_semaphore, #tpu.memory_space<semaphore_mem>>)
      } else {
      }
      %jit3A_242 = arith.constant 2 : i32
      %eq3A_243 = arith.constant 0 : i32
      %eq3A_244 = arith.cmpi eq, %jit3A_242, %eq3A_243 : i32
      %jit3A_245 = arith.constant 1 : i32
      %select_n3A_246 = arith.select %eq3A_244, %jit3A_245, %jit3A_242 : i32
      %rem3A_247 = arith.remsi %scan3A_140, %select_n3A_246 : i32
      %ne3A_248 = arith.constant 0 : i32
      %ne3A_249 = arith.cmpi ne, %rem3A_247, %ne3A_248 : i32
      %lt3A_250 = arith.constant 0 : i32
      %lt3A_251 = arith.cmpi slt, %rem3A_247, %lt3A_250 : i32
      %lt3A_252 = arith.constant 0 : i32
      %lt3A_253 = arith.cmpi slt, %select_n3A_246, %lt3A_252 : i32
      %ne3A_254 = arith.xori %lt3A_251, %lt3A_253 : i1
      %and3A_255 = arith.andi %ne3A_254, %ne3A_249 : i1
      %add3A_256 = arith.addi %rem3A_247, %select_n3A_246 : i32
      %select_n3A_257 = arith.select %and3A_255, %add3A_256, %rem3A_247 : i32
      %jit3A_258 = arith.constant 3 : i32
      %eq3A_259 = arith.constant 0 : i32
      %eq3A_260 = arith.cmpi eq, %jit3A_258, %eq3A_259 : i32
      %jit3A_261 = arith.constant 1 : i32
      %select_n3A_262 = arith.select %eq3A_260, %jit3A_261, %jit3A_258 : i32
      %rem3A_263 = arith.remsi %scan3A_140, %select_n3A_262 : i32
      %ne3A_264 = arith.constant 0 : i32
      %ne3A_265 = arith.cmpi ne, %rem3A_263, %ne3A_264 : i32
      %lt3A_266 = arith.constant 0 : i32
      %lt3A_267 = arith.cmpi slt, %rem3A_263, %lt3A_266 : i32
      %lt3A_268 = arith.constant 0 : i32
      %lt3A_269 = arith.cmpi slt, %select_n3A_262, %lt3A_268 : i32
      %ne3A_270 = arith.xori %lt3A_267, %lt3A_269 : i1
      %and3A_271 = arith.andi %ne3A_270, %ne3A_265 : i1
      %add3A_272 = arith.addi %rem3A_263, %select_n3A_262 : i32
      %select_n3A_273 = arith.select %and3A_271, %add3A_272, %rem3A_263 : i32
      %dma_start3A_274 = arith.constant 0 : i32
      %dma_start3A_275 = arith.constant 0 : i32
      %dma_start3A_276 = tpu.memref_slice %arg11[%select_n3A_257, %dma_start3A_274, %dma_start3A_275] : memref<2x128x128xf32, #tpu.memory_space<vmem>> -> memref<1x128x128xf32, #tpu.memory_space<vmem>>
      %dma_start3A_277 = tpu.memref_squeeze %dma_start3A_276 : memref<1x128x128xf32, #tpu.memory_space<vmem>> -> memref<128x128xf32, #tpu.memory_space<vmem>>
      %dma_start3A_278 = arith.constant 0 : i32
      %dma_start3A_279 = tpu.memref_slice %arg10[%select_n3A_273, %dma_start3A_278] : memref<3x128xi32, #tpu.memory_space<vmem>> -> memref<1x128xi32, #tpu.memory_space<vmem>>
      %dma_start3A_280 = tpu.memref_squeeze %dma_start3A_279 : memref<1x128xi32, #tpu.memory_space<vmem>> -> memref<128xi32, #tpu.memory_space<vmem>>
      %dma_start3A_281 = arith.constant 0 : i32
      %dma_start3A_282 = arith.constant 0 : i32
      %dma_start3A_283 = tpu.memref_slice %arg13[%dma_start3A_281, %dma_start3A_282] : memref<10240x128xf32, #tpu.memory_space<vmem_shared>> -> memref<10240x128xf32, #tpu.memory_space<vmem_shared>>
      tpu.enqueue_indirect_dma source(%dma_start3A_277 : memref<128x128xf32, #tpu.memory_space<vmem>>) target(%dma_start3A_283 : memref<10240x128xf32, #tpu.memory_space<vmem_shared>>) offsets(%dma_start3A_280 : memref<128xi32, #tpu.memory_space<vmem>>) semaphore(%arg17 : memref<!tpu.dma_semaphore, #tpu.memory_space<semaphore_mem>>) {add = true}
      %dma_start3A_284 = arith.constant 0 : i32
      %dma_start3A_285 = tpu.memref_slice %arg10[%select_n3A_273, %dma_start3A_284] : memref<3x128xi32, #tpu.memory_space<vmem>> -> memref<1x128xi32, #tpu.memory_space<vmem>>
      %dma_start3A_286 = tpu.memref_squeeze %dma_start3A_285 : memref<1x128xi32, #tpu.memory_space<vmem>> -> memref<128xi32, #tpu.memory_space<vmem>>
      %dma_start3A_287 = arith.constant 0 : i32
      %dma_start3A_288 = tpu.memref_slice %arg14[%dma_start3A_287] : memref<10240xf32, #tpu.memory_space<vmem_shared>> -> memref<10240xf32, #tpu.memory_space<vmem_shared>>
      tpu.enqueue_indirect_dma source(%arg12 : memref<128xf32, #tpu.memory_space<vmem>>) target(%dma_start3A_288 : memref<10240xf32, #tpu.memory_space<vmem_shared>>) offsets(%dma_start3A_286 : memref<128xi32, #tpu.memory_space<vmem>>) semaphore(%arg18 : memref<!tpu.dma_semaphore, #tpu.memory_space<semaphore_mem>>) {add = true}
    }
    %scan3A_93 = arith.constant 160 : i32
    %dma_wait3A = arith.constant 0 : i32
    %dma_wait3A_94 = arith.constant 0 : i32
    %dma_wait3A_95 = arith.constant 0 : i32
    %dma_wait3A_96 = arith.constant 0 : i32
    %dma_wait3A_97 = tpu.memref_slice %arg11[%dma_wait3A, %dma_wait3A_95, %dma_wait3A_96] : memref<2x128x128xf32, #tpu.memory_space<vmem>> -> memref<1x128x128xf32, #tpu.memory_space<vmem>>
    %dma_wait3A_98 = tpu.memref_squeeze %dma_wait3A_97 : memref<1x128x128xf32, #tpu.memory_space<vmem>> -> memref<128x128xf32, #tpu.memory_space<vmem>>
    %dma_wait3A_99 = arith.constant 0 : i32
    %dma_wait3A_100 = tpu.memref_slice %arg10[%dma_wait3A_94, %dma_wait3A_99] : memref<3x128xi32, #tpu.memory_space<vmem>> -> memref<1x128xi32, #tpu.memory_space<vmem>>
    %dma_wait3A_101 = tpu.memref_squeeze %dma_wait3A_100 : memref<1x128xi32, #tpu.memory_space<vmem>> -> memref<128xi32, #tpu.memory_space<vmem>>
    %dma_wait3A_102 = arith.constant 0 : i32
    %dma_wait3A_103 = arith.constant 0 : i32
    %dma_wait3A_104 = tpu.memref_slice %arg13[%dma_wait3A_102, %dma_wait3A_103] : memref<10240x128xf32, #tpu.memory_space<vmem_shared>> -> memref<10240x128xf32, #tpu.memory_space<vmem_shared>>
    tpu.wait_indirect_dma semaphore(%arg17 : memref<!tpu.dma_semaphore, #tpu.memory_space<semaphore_mem>>) src(%dma_wait3A_98 : memref<128x128xf32, #tpu.memory_space<vmem>>) dst(%dma_wait3A_104 : memref<10240x128xf32, #tpu.memory_space<vmem_shared>>)
    %dma_wait3A_105 = arith.constant 0 : i32
    %dma_wait3A_106 = arith.constant 0 : i32
    %dma_wait3A_107 = tpu.memref_slice %arg10[%dma_wait3A_105, %dma_wait3A_106] : memref<3x128xi32, #tpu.memory_space<vmem>> -> memref<1x128xi32, #tpu.memory_space<vmem>>
    %dma_wait3A_108 = tpu.memref_squeeze %dma_wait3A_107 : memref<1x128xi32, #tpu.memory_space<vmem>> -> memref<128xi32, #tpu.memory_space<vmem>>
    %dma_wait3A_109 = arith.constant 0 : i32
    %dma_wait3A_110 = tpu.memref_slice %arg14[%dma_wait3A_109] : memref<10240xf32, #tpu.memory_space<vmem_shared>> -> memref<10240xf32, #tpu.memory_space<vmem_shared>>
    tpu.wait_indirect_dma semaphore(%arg18 : memref<!tpu.dma_semaphore, #tpu.memory_space<semaphore_mem>>) src(%arg12 : memref<128xf32, #tpu.memory_space<vmem>>) dst(%dma_wait3A_110 : memref<10240xf32, #tpu.memory_space<vmem_shared>>)
    %dma_wait3A_111 = arith.constant 0 : i32
    %dma_wait3A_112 = arith.constant 0 : i32
    %dma_wait3A_113 = arith.constant 0 : i32
    %dma_wait3A_114 = tpu.memref_slice %arg9[%dma_wait3A_112, %dma_wait3A_113] : memref<3x128xi32, #tpu.memory_space<vmem>> -> memref<1x128xi32, #tpu.memory_space<vmem>>
    %dma_wait3A_115 = tpu.memref_squeeze %dma_wait3A_114 : memref<1x128xi32, #tpu.memory_space<vmem>> -> memref<128xi32, #tpu.memory_space<vmem>>
    %dma_wait3A_116 = arith.constant 0 : i32
    %dma_wait3A_117 = tpu.memref_slice %arg3[%arg0, %arg1, %dma_wait3A_111, %dma_wait3A_116] : memref<2x16x160x128xi32, #tpu.memory_space<hbm>> -> memref<1x1x1x128xi32, #tpu.memory_space<hbm>>
    %dma_wait3A_118 = tpu.memref_squeeze %dma_wait3A_117 : memref<1x1x1x128xi32, #tpu.memory_space<hbm>> -> memref<128xi32, #tpu.memory_space<hbm>>
    %dma_wait3A_119 = arith.constant 0 : i32
    %dma_wait3A_120 = tpu.memref_slice %arg9[%dma_wait3A_112, %dma_wait3A_119] : memref<3x128xi32, #tpu.memory_space<vmem>> -> memref<1x128xi32, #tpu.memory_space<vmem>>
    %dma_wait3A_121 = tpu.memref_squeeze %dma_wait3A_120 : memref<1x128xi32, #tpu.memory_space<vmem>> -> memref<128xi32, #tpu.memory_space<vmem>>
    %dma_wait3A_122 = arith.constant 0 : i32
    %dma_wait3A_123 = tpu.memref_slice %arg3[%arg0, %arg1, %dma_wait3A_111, %dma_wait3A_122] : memref<2x16x160x128xi32, #tpu.memory_space<hbm>> -> memref<1x1x1x128xi32, #tpu.memory_space<hbm>>
    %dma_wait3A_124 = tpu.memref_squeeze %dma_wait3A_123 : memref<1x1x1x128xi32, #tpu.memory_space<hbm>> -> memref<128xi32, #tpu.memory_space<hbm>>
    tpu.wait_dma2 semaphore(%arg16 : memref<!tpu.dma_semaphore, #tpu.memory_space<semaphore_mem>>) src(%dma_wait3A_124 : memref<128xi32, #tpu.memory_space<hbm>>) dst(%dma_wait3A_121 : memref<128xi32, #tpu.memory_space<vmem>>)
    %dma_wait3A_125 = arith.constant 0 : i32
    %dma_wait3A_126 = arith.constant 0 : i32
    %dma_wait3A_127 = arith.constant 0 : i32
    %dma_wait3A_128 = tpu.memref_slice %arg10[%dma_wait3A_126, %dma_wait3A_127] : memref<3x128xi32, #tpu.memory_space<vmem>> -> memref<1x128xi32, #tpu.memory_space<vmem>>
    %dma_wait3A_129 = tpu.memref_squeeze %dma_wait3A_128 : memref<1x128xi32, #tpu.memory_space<vmem>> -> memref<128xi32, #tpu.memory_space<vmem>>
    %dma_wait3A_130 = arith.constant 0 : i32
    %dma_wait3A_131 = tpu.memref_slice %arg4[%arg0, %arg1, %dma_wait3A_125, %dma_wait3A_130] : memref<2x16x160x128xi32, #tpu.memory_space<hbm>> -> memref<1x1x1x128xi32, #tpu.memory_space<hbm>>
    %dma_wait3A_132 = tpu.memref_squeeze %dma_wait3A_131 : memref<1x1x1x128xi32, #tpu.memory_space<hbm>> -> memref<128xi32, #tpu.memory_space<hbm>>
    %dma_wait3A_133 = arith.constant 0 : i32
    %dma_wait3A_134 = tpu.memref_slice %arg10[%dma_wait3A_126, %dma_wait3A_133] : memref<3x128xi32, #tpu.memory_space<vmem>> -> memref<1x128xi32, #tpu.memory_space<vmem>>
    %dma_wait3A_135 = tpu.memref_squeeze %dma_wait3A_134 : memref<1x128xi32, #tpu.memory_space<vmem>> -> memref<128xi32, #tpu.memory_space<vmem>>
    %dma_wait3A_136 = arith.constant 0 : i32
    %dma_wait3A_137 = tpu.memref_slice %arg4[%arg0, %arg1, %dma_wait3A_125, %dma_wait3A_136] : memref<2x16x160x128xi32, #tpu.memory_space<hbm>> -> memref<1x1x1x128xi32, #tpu.memory_space<hbm>>
    %dma_wait3A_138 = tpu.memref_squeeze %dma_wait3A_137 : memref<1x1x1x128xi32, #tpu.memory_space<hbm>> -> memref<128xi32, #tpu.memory_space<hbm>>
    tpu.wait_dma2 semaphore(%arg16 : memref<!tpu.dma_semaphore, #tpu.memory_space<semaphore_mem>>) src(%dma_wait3A_138 : memref<128xi32, #tpu.memory_space<hbm>>) dst(%dma_wait3A_135 : memref<128xi32, #tpu.memory_space<vmem>>)
    %barrier3A_139 = arith.constant 0 : index
    tpu.barrier barrier_id(%barrier3A_139)
    "tpu.region"() ({
      %run_scoped3A_140 = tpu.sem_alloc : memref<!tpu.dma_semaphore, #tpu.memory_space<semaphore_mem>>
      %dma_start3A_141 = arith.constant 0 : i32
      %dma_start3A_142 = tpu.memref_slice %arg7[%arg0, %mul3A_0, %dma_start3A_141] : memref<2x10240x128xf32, #tpu.memory_space<hbm>> -> memref<1x640x128xf32, #tpu.memory_space<hbm>>
      %dma_start3A_143 = tpu.memref_squeeze %dma_start3A_142 : memref<1x640x128xf32, #tpu.memory_space<hbm>> -> memref<640x128xf32, #tpu.memory_space<hbm>>
      %dma_start3A_144 = arith.constant 0 : i32
      %dma_start3A_145 = tpu.memref_slice %arg13[%mul3A_0, %dma_start3A_144] : memref<10240x128xf32, #tpu.memory_space<vmem_shared>> -> memref<640x128xf32, #tpu.memory_space<vmem_shared>>
      tpu.enqueue_dma source(%dma_start3A_145 : memref<640x128xf32, #tpu.memory_space<vmem_shared>>) target(%dma_start3A_143 : memref<640x128xf32, #tpu.memory_space<hbm>>) target_semaphore(%run_scoped3A_140 : memref<!tpu.dma_semaphore, #tpu.memory_space<semaphore_mem>>)
      %dma_wait3A_146 = arith.constant 0 : i32
      %dma_wait3A_147 = tpu.memref_slice %arg7[%arg0, %mul3A_0, %dma_wait3A_146] : memref<2x10240x128xf32, #tpu.memory_space<hbm>> -> memref<1x640x128xf32, #tpu.memory_space<hbm>>
      %dma_wait3A_148 = tpu.memref_squeeze %dma_wait3A_147 : memref<1x640x128xf32, #tpu.memory_space<hbm>> -> memref<640x128xf32, #tpu.memory_space<hbm>>
      %dma_wait3A_149 = arith.constant 0 : i32
      %dma_wait3A_150 = tpu.memref_slice %arg13[%mul3A_0, %dma_wait3A_149] : memref<10240x128xf32, #tpu.memory_space<vmem_shared>> -> memref<640x128xf32, #tpu.memory_space<vmem_shared>>
      tpu.wait_dma2 semaphore(%run_scoped3A_140 : memref<!tpu.dma_semaphore, #tpu.memory_space<semaphore_mem>>) src(%dma_wait3A_150 : memref<640x128xf32, #tpu.memory_space<vmem_shared>>) dst(%dma_wait3A_148 : memref<640x128xf32, #tpu.memory_space<hbm>>)
      tpu.yield
    }) : () -> ()
    "tpu.region"() ({
      %run_scoped3A_140 = tpu.sem_alloc : memref<!tpu.dma_semaphore, #tpu.memory_space<semaphore_mem>>
      %dma_start3A_141 = tpu.memref_slice %arg8[%arg0, %mul3A_0] : memref<2x10240xf32, #tpu.memory_space<hbm>> -> memref<1x640xf32, #tpu.memory_space<hbm>>
      %dma_start3A_142 = tpu.memref_squeeze %dma_start3A_141 : memref<1x640xf32, #tpu.memory_space<hbm>> -> memref<640xf32, #tpu.memory_space<hbm>>
      %dma_start3A_143 = tpu.memref_slice %arg14[%mul3A_0] : memref<10240xf32, #tpu.memory_space<vmem_shared>> -> memref<640xf32, #tpu.memory_space<vmem_shared>>
      tpu.enqueue_dma source(%dma_start3A_143 : memref<640xf32, #tpu.memory_space<vmem_shared>>) target(%dma_start3A_142 : memref<640xf32, #tpu.memory_space<hbm>>) target_semaphore(%run_scoped3A_140 : memref<!tpu.dma_semaphore, #tpu.memory_space<semaphore_mem>>)
      %dma_wait3A_144 = tpu.memref_slice %arg8[%arg0, %mul3A_0] : memref<2x10240xf32, #tpu.memory_space<hbm>> -> memref<1x640xf32, #tpu.memory_space<hbm>>
      %dma_wait3A_145 = tpu.memref_squeeze %dma_wait3A_144 : memref<1x640xf32, #tpu.memory_space<hbm>> -> memref<640xf32, #tpu.memory_space<hbm>>
      %dma_wait3A_146 = tpu.memref_slice %arg14[%mul3A_0] : memref<10240xf32, #tpu.memory_space<vmem_shared>> -> memref<640xf32, #tpu.memory_space<vmem_shared>>
      tpu.wait_dma2 semaphore(%run_scoped3A_140 : memref<!tpu.dma_semaphore, #tpu.memory_space<semaphore_mem>>) src(%dma_wait3A_146 : memref<640xf32, #tpu.memory_space<vmem_shared>>) dst(%dma_wait3A_145 : memref<640xf32, #tpu.memory_space<hbm>>)
      tpu.yield
    }) : () -> ()
    return
  }
}

module attributes {stable_mosaic.version = 14 : i64} {
  func.func @_tc1_body(%arg0: i32, %arg1: i32, %arg2: memref<1x1280x128xf32, #tpu.memory_space<vmem>>, %arg3: memref<1x1280x1xf32, #tpu.memory_space<vmem>>, %arg4: memref<1x1280x128xf32, #tpu.memory_space<vmem>>, %arg5: memref<1x128x256xf32, #tpu.memory_space<vmem>>, %arg6: memref<1x128x256xf32, #tpu.memory_space<vmem>>, %arg7: memref<1x1x256xf32, #tpu.memory_space<vmem>>, %arg8: memref<1x1x256xf32, #tpu.memory_space<vmem>>, %arg9: memref<1x1x256xf32, #tpu.memory_space<vmem>>, %arg10: memref<1x256x128xf32, #tpu.memory_space<vmem>>, %arg11: memref<1x256x128xf32, #tpu.memory_space<vmem>>, %arg12: memref<1x1x128xf32, #tpu.memory_space<vmem>>, %arg13: memref<1x1280x128xf32, #tpu.memory_space<vmem>>, %arg14: memref<1x1280x128xf32, #tpu.memory_space<vmem>>) attributes {dimension_semantics = [#tpu.dimension_semantics<arbitrary>, #tpu.dimension_semantics<arbitrary>], iteration_bounds = array<i64: 2, 8>, scalar_prefetch = 0 : i64, scratch_operands = 0 : i64, tpu.core_type = #tpu.core_type<tc>, window_params = [{transform_indices = @transform_0, window_bounds = array<i64: 1, 1280, 128>}, {transform_indices = @transform_1, window_bounds = array<i64: 1, 1280, 1>}, {transform_indices = @transform_2, window_bounds = array<i64: 1, 1280, 128>}, {transform_indices = @transform_3, window_bounds = array<i64: 1, 128, 256>}, {transform_indices = @transform_4, window_bounds = array<i64: 1, 128, 256>}, {transform_indices = @transform_5, window_bounds = array<i64: 1, 1, 256>}, {transform_indices = @transform_6, window_bounds = array<i64: 1, 1, 256>}, {transform_indices = @transform_7, window_bounds = array<i64: 1, 1, 256>}, {transform_indices = @transform_8, window_bounds = array<i64: 1, 256, 128>}, {transform_indices = @transform_9, window_bounds = array<i64: 1, 256, 128>}, {transform_indices = @transform_10, window_bounds = array<i64: 1, 1, 128>}, {transform_indices = @transform_11, window_bounds = array<i64: 1, 1280, 128>}, {transform_indices = @transform_12, window_bounds = array<i64: 1, 1280, 128>}]} {
    %get3A = arith.constant 0 : index
    %get3A_0 = arith.constant 0 : index
    %get3A_1 = arith.constant 0 : index
    %get3A_2 = vector.load %arg3[%get3A, %get3A_0, %get3A_1] : memref<1x1280x1xf32, #tpu.memory_space<vmem>>, vector<1x1280x1xf32>
    %get3A_3 = vector.shape_cast %get3A_2 : vector<1x1280x1xf32> to vector<1280x1xf32>
    %max3A = arith.constant 1.000000e+00 : f32
    %max3A_4 = vector.broadcast %max3A : f32 to vector<1280x1xf32>
    %max3A_5 = arith.maximumf %get3A_3, %max3A_4 : vector<1280x1xf32>
    %get3A_6 = arith.constant 0 : index
    %get3A_7 = arith.constant 0 : index
    %get3A_8 = arith.constant 0 : index
    %get3A_9 = vector.load %arg2[%get3A_6, %get3A_7, %get3A_8] : memref<1x1280x128xf32, #tpu.memory_space<vmem>>, vector<1x1280x128xf32>
    %get3A_10 = vector.shape_cast %get3A_9 : vector<1x1280x128xf32> to vector<1280x128xf32>
    %div3A = vector.broadcast %max3A_5 : vector<1280x1xf32> to vector<1280x128xf32>
    %div3A_11 = arith.divf %get3A_10, %div3A : vector<1280x128xf32>
    %get3A_12 = arith.constant 0 : index
    %get3A_13 = arith.constant 0 : index
    %get3A_14 = arith.constant 0 : index
    %get3A_15 = vector.load %arg5[%get3A_12, %get3A_13, %get3A_14] : memref<1x128x256xf32, #tpu.memory_space<vmem>>, vector<1x128x256xf32>
    %get3A_16 = vector.shape_cast %get3A_15 : vector<1x128x256xf32> to vector<128x256xf32>
    %dot_general3A = arith.constant dense<0.000000e+00> : vector<1280x256xf32>
    %dot_general3A_17 = tpu.matmul %div3A_11, %get3A_16, %dot_general3A {dimension_numbers = #tpu.dot_dimension_numbers<[1], [0], [0], [1], [0, 0, 1, 1], [], []>, transpose_lhs_hint = false} : vector<1280x128xf32>, vector<128x256xf32>, vector<1280x256xf32> -> vector<1280x256xf32>
    %get3A_18 = arith.constant 0 : index
    %get3A_19 = arith.constant 0 : index
    %get3A_20 = arith.constant 0 : index
    %get3A_21 = vector.load %arg4[%get3A_18, %get3A_19, %get3A_20] : memref<1x1280x128xf32, #tpu.memory_space<vmem>>, vector<1x1280x128xf32>
    %get3A_22 = vector.shape_cast %get3A_21 : vector<1x1280x128xf32> to vector<1280x128xf32>
    %get3A_23 = arith.constant 0 : index
    %get3A_24 = arith.constant 0 : index
    %get3A_25 = arith.constant 0 : index
    %get3A_26 = vector.load %arg6[%get3A_23, %get3A_24, %get3A_25] : memref<1x128x256xf32, #tpu.memory_space<vmem>>, vector<1x128x256xf32>
    %get3A_27 = vector.shape_cast %get3A_26 : vector<1x128x256xf32> to vector<128x256xf32>
    %dot_general3A_28 = arith.constant dense<0.000000e+00> : vector<1280x256xf32>
    %dot_general3A_29 = tpu.matmul %get3A_22, %get3A_27, %dot_general3A_28 {dimension_numbers = #tpu.dot_dimension_numbers<[1], [0], [0], [1], [0, 0, 1, 1], [], []>, transpose_lhs_hint = false} : vector<1280x128xf32>, vector<128x256xf32>, vector<1280x256xf32> -> vector<1280x256xf32>
    %add3A = arith.addf %dot_general3A_17, %dot_general3A_29 : vector<1280x256xf32>
    %get3A_30 = arith.constant 0 : index
    %get3A_31 = arith.constant 0 : index
    %get3A_32 = arith.constant 0 : index
    %get3A_33 = vector.load %arg7[%get3A_30, %get3A_31, %get3A_32] : memref<1x1x256xf32, #tpu.memory_space<vmem>>, vector<1x1x256xf32>
    %get3A_34 = vector.shape_cast %get3A_33 : vector<1x1x256xf32> to vector<1x256xf32>
    %add3A_35 = vector.broadcast %get3A_34 : vector<1x256xf32> to vector<1280x256xf32>
    %add3A_36 = arith.addf %add3A, %add3A_35 : vector<1280x256xf32>
    %reduce_sum3A = arith.constant dense<0.000000e+00> : vector<1280xf32>
    %reduce_sum3A_37 = vector.multi_reduction <add>, %add3A_36, %reduce_sum3A [1] : vector<1280x256xf32> to vector<1280xf32>
    %broadcast_in_dim3A = vector.shape_cast %reduce_sum3A_37 : vector<1280xf32> to vector<1280x1xf32>
    %div3A_38 = arith.constant 2.560000e+02 : f32
    %div3A_39 = vector.broadcast %div3A_38 : f32 to vector<1280x1xf32>
    %div3A_40 = arith.divf %broadcast_in_dim3A, %div3A_39 : vector<1280x1xf32>
    %sub3A = vector.broadcast %div3A_40 : vector<1280x1xf32> to vector<1280x256xf32>
    %sub3A_41 = arith.subf %add3A_36, %sub3A : vector<1280x256xf32>
    %integer_pow3A = arith.mulf %sub3A_41, %sub3A_41 : vector<1280x256xf32>
    %reduce_sum3A_42 = arith.constant dense<0.000000e+00> : vector<1280xf32>
    %reduce_sum3A_43 = vector.multi_reduction <add>, %integer_pow3A, %reduce_sum3A_42 [1] : vector<1280x256xf32> to vector<1280xf32>
    %broadcast_in_dim3A_44 = vector.shape_cast %reduce_sum3A_43 : vector<1280xf32> to vector<1280x1xf32>
    %div3A_45 = arith.constant 2.560000e+02 : f32
    %div3A_46 = vector.broadcast %div3A_45 : f32 to vector<1280x1xf32>
    %div3A_47 = arith.divf %broadcast_in_dim3A_44, %div3A_46 : vector<1280x1xf32>
    %sub3A_48 = vector.broadcast %div3A_40 : vector<1280x1xf32> to vector<1280x256xf32>
    %sub3A_49 = arith.subf %add3A_36, %sub3A_48 : vector<1280x256xf32>
    %add3A_50 = arith.constant 9.99999974E-6 : f32
    %add3A_51 = vector.broadcast %add3A_50 : f32 to vector<1280x1xf32>
    %add3A_52 = arith.addf %div3A_47, %add3A_51 : vector<1280x1xf32>
    %rsqrt3A = math.rsqrt %add3A_52 : vector<1280x1xf32>
    %mul3A = vector.broadcast %rsqrt3A : vector<1280x1xf32> to vector<1280x256xf32>
    %mul3A_53 = arith.mulf %sub3A_49, %mul3A : vector<1280x256xf32>
    %get3A_54 = arith.constant 0 : index
    %get3A_55 = arith.constant 0 : index
    %get3A_56 = arith.constant 0 : index
    %get3A_57 = vector.load %arg8[%get3A_54, %get3A_55, %get3A_56] : memref<1x1x256xf32, #tpu.memory_space<vmem>>, vector<1x1x256xf32>
    %get3A_58 = vector.shape_cast %get3A_57 : vector<1x1x256xf32> to vector<1x256xf32>
    %mul3A_59 = vector.broadcast %get3A_58 : vector<1x256xf32> to vector<1280x256xf32>
    %mul3A_60 = arith.mulf %mul3A_53, %mul3A_59 : vector<1280x256xf32>
    %get3A_61 = arith.constant 0 : index
    %get3A_62 = arith.constant 0 : index
    %get3A_63 = arith.constant 0 : index
    %get3A_64 = vector.load %arg9[%get3A_61, %get3A_62, %get3A_63] : memref<1x1x256xf32, #tpu.memory_space<vmem>>, vector<1x1x256xf32>
    %get3A_65 = vector.shape_cast %get3A_64 : vector<1x1x256xf32> to vector<1x256xf32>
    %add3A_66 = vector.broadcast %get3A_65 : vector<1x256xf32> to vector<1280x256xf32>
    %add3A_67 = arith.addf %mul3A_60, %add3A_66 : vector<1280x256xf32>
    %max3A_68 = arith.constant 0.000000e+00 : f32
    %max3A_69 = vector.broadcast %max3A_68 : f32 to vector<1280x256xf32>
    %max3A_70 = arith.maximumf %add3A_67, %max3A_69 : vector<1280x256xf32>
    %get3A_71 = arith.constant 0 : index
    %get3A_72 = arith.constant 0 : index
    %get3A_73 = arith.constant 0 : index
    %get3A_74 = vector.load %arg10[%get3A_71, %get3A_72, %get3A_73] : memref<1x256x128xf32, #tpu.memory_space<vmem>>, vector<1x256x128xf32>
    %get3A_75 = vector.shape_cast %get3A_74 : vector<1x256x128xf32> to vector<256x128xf32>
    %dot_general3A_76 = arith.constant dense<0.000000e+00> : vector<1280x128xf32>
    %dot_general3A_77 = tpu.matmul %max3A_70, %get3A_75, %dot_general3A_76 {dimension_numbers = #tpu.dot_dimension_numbers<[1], [0], [0], [1], [0, 0, 1, 1], [], []>, transpose_lhs_hint = false} : vector<1280x256xf32>, vector<256x128xf32>, vector<1280x128xf32> -> vector<1280x128xf32>
    %swap3A = arith.constant 0 : index
    %swap3A_78 = arith.constant 0 : index
    %swap3A_79 = arith.constant 0 : index
    %swap3A_80 = vector.load %arg13[%swap3A, %swap3A_78, %swap3A_79] : memref<1x1280x128xf32, #tpu.memory_space<vmem>>, vector<1x1280x128xf32>
    %swap3A_81 = vector.shape_cast %swap3A_80 : vector<1x1280x128xf32> to vector<1280x128xf32>
    %swap3A_82 = vector.shape_cast %dot_general3A_77 : vector<1280x128xf32> to vector<1x1280x128xf32>
    tpu.vector_store %arg13[%swap3A, %swap3A_78, %swap3A_79], %swap3A_82 {strides = array<i32>} : memref<1x1280x128xf32, #tpu.memory_space<vmem>>, vector<1x1280x128xf32>,
    %get3A_83 = arith.constant 0 : index
    %get3A_84 = arith.constant 0 : index
    %get3A_85 = arith.constant 0 : index
    %get3A_86 = vector.load %arg11[%get3A_83, %get3A_84, %get3A_85] : memref<1x256x128xf32, #tpu.memory_space<vmem>>, vector<1x256x128xf32>
    %get3A_87 = vector.shape_cast %get3A_86 : vector<1x256x128xf32> to vector<256x128xf32>
    %dot_general3A_88 = arith.constant dense<0.000000e+00> : vector<1280x128xf32>
    %dot_general3A_89 = tpu.matmul %max3A_70, %get3A_87, %dot_general3A_88 {dimension_numbers = #tpu.dot_dimension_numbers<[1], [0], [0], [1], [0, 0, 1, 1], [], []>, transpose_lhs_hint = false} : vector<1280x256xf32>, vector<256x128xf32>, vector<1280x128xf32> -> vector<1280x128xf32>
    %get3A_90 = arith.constant 0 : index
    %get3A_91 = arith.constant 0 : index
    %get3A_92 = arith.constant 0 : index
    %get3A_93 = vector.load %arg12[%get3A_90, %get3A_91, %get3A_92] : memref<1x1x128xf32, #tpu.memory_space<vmem>>, vector<1x1x128xf32>
    %get3A_94 = vector.shape_cast %get3A_93 : vector<1x1x128xf32> to vector<1x128xf32>
    %add3A_95 = vector.broadcast %get3A_94 : vector<1x128xf32> to vector<1280x128xf32>
    %add3A_96 = arith.addf %dot_general3A_89, %add3A_95 : vector<1280x128xf32>
    %swap3A_97 = arith.constant 0 : index
    %swap3A_98 = arith.constant 0 : index
    %swap3A_99 = arith.constant 0 : index
    %swap3A_100 = vector.load %arg14[%swap3A_97, %swap3A_98, %swap3A_99] : memref<1x1280x128xf32, #tpu.memory_space<vmem>>, vector<1x1280x128xf32>
    %swap3A_101 = vector.shape_cast %swap3A_100 : vector<1x1280x128xf32> to vector<1280x128xf32>
    %swap3A_102 = vector.shape_cast %add3A_96 : vector<1280x128xf32> to vector<1x1280x128xf32>
    tpu.vector_store %arg14[%swap3A_97, %swap3A_98, %swap3A_99], %swap3A_102 {strides = array<i32>} : memref<1x1280x128xf32, #tpu.memory_space<vmem>>, vector<1x1280x128xf32>,
    return
  }
  func.func @transform_0(%arg0: i32, %arg1: i32) -> (i32, i32, i32) {
    %c0_i32 = arith.constant 0 : i32
    %c0_i32_0 = arith.constant 0 : i32
    return %arg0, %arg1, %c0_i32 : i32, i32, i32
  }
  func.func @transform_1(%arg0: i32, %arg1: i32) -> (i32, i32, i32) {
    %c0_i32 = arith.constant 0 : i32
    %c0_i32_0 = arith.constant 0 : i32
    return %arg0, %arg1, %c0_i32 : i32, i32, i32
  }
  func.func @transform_2(%arg0: i32, %arg1: i32) -> (i32, i32, i32) {
    %c0_i32 = arith.constant 0 : i32
    %c0_i32_0 = arith.constant 0 : i32
    return %arg0, %arg1, %c0_i32 : i32, i32, i32
  }
  func.func @transform_3(%arg0: i32, %arg1: i32) -> (i32, i32, i32) {
    %c0_i32 = arith.constant 0 : i32
    %c0_i32_0 = arith.constant 0 : i32
    %c0_i32_1 = arith.constant 0 : i32
    return %arg0, %c0_i32, %c0_i32_0 : i32, i32, i32
  }
  func.func @transform_4(%arg0: i32, %arg1: i32) -> (i32, i32, i32) {
    %c0_i32 = arith.constant 0 : i32
    %c0_i32_0 = arith.constant 0 : i32
    %c0_i32_1 = arith.constant 0 : i32
    return %arg0, %c0_i32, %c0_i32_0 : i32, i32, i32
  }
  func.func @transform_5(%arg0: i32, %arg1: i32) -> (i32, i32, i32) {
    %c0_i32 = arith.constant 0 : i32
    %c0_i32_0 = arith.constant 0 : i32
    %c0_i32_1 = arith.constant 0 : i32
    return %arg0, %c0_i32, %c0_i32_0 : i32, i32, i32
  }
  func.func @transform_6(%arg0: i32, %arg1: i32) -> (i32, i32, i32) {
    %c0_i32 = arith.constant 0 : i32
    %c0_i32_0 = arith.constant 0 : i32
    %c0_i32_1 = arith.constant 0 : i32
    return %arg0, %c0_i32, %c0_i32_0 : i32, i32, i32
  }
  func.func @transform_7(%arg0: i32, %arg1: i32) -> (i32, i32, i32) {
    %c0_i32 = arith.constant 0 : i32
    %c0_i32_0 = arith.constant 0 : i32
    %c0_i32_1 = arith.constant 0 : i32
    return %arg0, %c0_i32, %c0_i32_0 : i32, i32, i32
  }
  func.func @transform_8(%arg0: i32, %arg1: i32) -> (i32, i32, i32) {
    %c0_i32 = arith.constant 0 : i32
    %c0_i32_0 = arith.constant 0 : i32
    %c0_i32_1 = arith.constant 0 : i32
    return %arg0, %c0_i32, %c0_i32_0 : i32, i32, i32
  }
  func.func @transform_9(%arg0: i32, %arg1: i32) -> (i32, i32, i32) {
    %c0_i32 = arith.constant 0 : i32
    %c0_i32_0 = arith.constant 0 : i32
    %c0_i32_1 = arith.constant 0 : i32
    return %arg0, %c0_i32, %c0_i32_0 : i32, i32, i32
  }
  func.func @transform_10(%arg0: i32, %arg1: i32) -> (i32, i32, i32) {
    %c0_i32 = arith.constant 0 : i32
    %c0_i32_0 = arith.constant 0 : i32
    %c0_i32_1 = arith.constant 0 : i32
    return %arg0, %c0_i32, %c0_i32_0 : i32, i32, i32
  }
  func.func @transform_11(%arg0: i32, %arg1: i32) -> (i32, i32, i32) {
    %c0_i32 = arith.constant 0 : i32
    %c0_i32_0 = arith.constant 0 : i32
    return %arg0, %arg1, %c0_i32 : i32, i32, i32
  }
  func.func @transform_12(%arg0: i32, %arg1: i32) -> (i32, i32, i32) {
    %c0_i32 = arith.constant 0 : i32
    %c0_i32_0 = arith.constant 0 : i32
    return %arg0, %arg1, %c0_i32 : i32, i32, i32
  }
}

module attributes {stable_mosaic.version = 14 : i64} {
  func.func @_tc2_body(%arg0: i32, %arg1: i32, %arg2: memref<1x1280x128xf32, #tpu.memory_space<vmem>>, %arg3: memref<1x1280x1xf32, #tpu.memory_space<vmem>>, %arg4: memref<1x1280x128xf32, #tpu.memory_space<vmem>>, %arg5: memref<1x1x128xf32, #tpu.memory_space<vmem>>, %arg6: memref<1x1x128xf32, #tpu.memory_space<vmem>>, %arg7: memref<1x128x128xf32, #tpu.memory_space<vmem>>, %arg8: memref<1x1x128xf32, #tpu.memory_space<vmem>>, %arg9: memref<1x1280x128xf32, #tpu.memory_space<vmem>>) attributes {dimension_semantics = [#tpu.dimension_semantics<arbitrary>, #tpu.dimension_semantics<arbitrary>], iteration_bounds = array<i64: 2, 8>, scalar_prefetch = 0 : i64, scratch_operands = 0 : i64, tpu.core_type = #tpu.core_type<tc>, window_params = [{transform_indices = @transform_0, window_bounds = array<i64: 1, 1280, 128>}, {transform_indices = @transform_1, window_bounds = array<i64: 1, 1280, 1>}, {transform_indices = @transform_2, window_bounds = array<i64: 1, 1280, 128>}, {transform_indices = @transform_3, window_bounds = array<i64: 1, 1, 128>}, {transform_indices = @transform_4, window_bounds = array<i64: 1, 1, 128>}, {transform_indices = @transform_5, window_bounds = array<i64: 1, 128, 128>}, {transform_indices = @transform_6, window_bounds = array<i64: 1, 1, 128>}, {transform_indices = @transform_7, window_bounds = array<i64: 1, 1280, 128>}]} {
    %get3A = arith.constant 0 : index
    %get3A_0 = arith.constant 0 : index
    %get3A_1 = arith.constant 0 : index
    %get3A_2 = vector.load %arg3[%get3A, %get3A_0, %get3A_1] : memref<1x1280x1xf32, #tpu.memory_space<vmem>>, vector<1x1280x1xf32>
    %get3A_3 = vector.shape_cast %get3A_2 : vector<1x1280x1xf32> to vector<1280x1xf32>
    %max3A = arith.constant 1.000000e+00 : f32
    %max3A_4 = vector.broadcast %max3A : f32 to vector<1280x1xf32>
    %max3A_5 = arith.maximumf %get3A_3, %max3A_4 : vector<1280x1xf32>
    %get3A_6 = arith.constant 0 : index
    %get3A_7 = arith.constant 0 : index
    %get3A_8 = arith.constant 0 : index
    %get3A_9 = vector.load %arg2[%get3A_6, %get3A_7, %get3A_8] : memref<1x1280x128xf32, #tpu.memory_space<vmem>>, vector<1x1280x128xf32>
    %get3A_10 = vector.shape_cast %get3A_9 : vector<1x1280x128xf32> to vector<1280x128xf32>
    %div3A = vector.broadcast %max3A_5 : vector<1280x1xf32> to vector<1280x128xf32>
    %div3A_11 = arith.divf %get3A_10, %div3A : vector<1280x128xf32>
    %get3A_12 = arith.constant 0 : index
    %get3A_13 = arith.constant 0 : index
    %get3A_14 = arith.constant 0 : index
    %get3A_15 = vector.load %arg4[%get3A_12, %get3A_13, %get3A_14] : memref<1x1280x128xf32, #tpu.memory_space<vmem>>, vector<1x1280x128xf32>
    %get3A_16 = vector.shape_cast %get3A_15 : vector<1x1280x128xf32> to vector<1280x128xf32>
    %add3A = arith.addf %div3A_11, %get3A_16 : vector<1280x128xf32>
    %reduce_sum3A = arith.constant dense<0.000000e+00> : vector<1280xf32>
    %reduce_sum3A_17 = vector.multi_reduction <add>, %add3A, %reduce_sum3A [1] : vector<1280x128xf32> to vector<1280xf32>
    %broadcast_in_dim3A = vector.shape_cast %reduce_sum3A_17 : vector<1280xf32> to vector<1280x1xf32>
    %div3A_18 = arith.constant 1.280000e+02 : f32
    %div3A_19 = vector.broadcast %div3A_18 : f32 to vector<1280x1xf32>
    %div3A_20 = arith.divf %broadcast_in_dim3A, %div3A_19 : vector<1280x1xf32>
    %sub3A = vector.broadcast %div3A_20 : vector<1280x1xf32> to vector<1280x128xf32>
    %sub3A_21 = arith.subf %add3A, %sub3A : vector<1280x128xf32>
    %integer_pow3A = arith.mulf %sub3A_21, %sub3A_21 : vector<1280x128xf32>
    %reduce_sum3A_22 = arith.constant dense<0.000000e+00> : vector<1280xf32>
    %reduce_sum3A_23 = vector.multi_reduction <add>, %integer_pow3A, %reduce_sum3A_22 [1] : vector<1280x128xf32> to vector<1280xf32>
    %broadcast_in_dim3A_24 = vector.shape_cast %reduce_sum3A_23 : vector<1280xf32> to vector<1280x1xf32>
    %div3A_25 = arith.constant 1.280000e+02 : f32
    %div3A_26 = vector.broadcast %div3A_25 : f32 to vector<1280x1xf32>
    %div3A_27 = arith.divf %broadcast_in_dim3A_24, %div3A_26 : vector<1280x1xf32>
    %sub3A_28 = vector.broadcast %div3A_20 : vector<1280x1xf32> to vector<1280x128xf32>
    %sub3A_29 = arith.subf %add3A, %sub3A_28 : vector<1280x128xf32>
    %add3A_30 = arith.constant 9.99999974E-6 : f32
    %add3A_31 = vector.broadcast %add3A_30 : f32 to vector<1280x1xf32>
    %add3A_32 = arith.addf %div3A_27, %add3A_31 : vector<1280x1xf32>
    %rsqrt3A = math.rsqrt %add3A_32 : vector<1280x1xf32>
    %mul3A = vector.broadcast %rsqrt3A : vector<1280x1xf32> to vector<1280x128xf32>
    %mul3A_33 = arith.mulf %sub3A_29, %mul3A : vector<1280x128xf32>
    %get3A_34 = arith.constant 0 : index
    %get3A_35 = arith.constant 0 : index
    %get3A_36 = arith.constant 0 : index
    %get3A_37 = vector.load %arg5[%get3A_34, %get3A_35, %get3A_36] : memref<1x1x128xf32, #tpu.memory_space<vmem>>, vector<1x1x128xf32>
    %get3A_38 = vector.shape_cast %get3A_37 : vector<1x1x128xf32> to vector<1x128xf32>
    %mul3A_39 = vector.broadcast %get3A_38 : vector<1x128xf32> to vector<1280x128xf32>
    %mul3A_40 = arith.mulf %mul3A_33, %mul3A_39 : vector<1280x128xf32>
    %get3A_41 = arith.constant 0 : index
    %get3A_42 = arith.constant 0 : index
    %get3A_43 = arith.constant 0 : index
    %get3A_44 = vector.load %arg6[%get3A_41, %get3A_42, %get3A_43] : memref<1x1x128xf32, #tpu.memory_space<vmem>>, vector<1x1x128xf32>
    %get3A_45 = vector.shape_cast %get3A_44 : vector<1x1x128xf32> to vector<1x128xf32>
    %add3A_46 = vector.broadcast %get3A_45 : vector<1x128xf32> to vector<1280x128xf32>
    %add3A_47 = arith.addf %mul3A_40, %add3A_46 : vector<1280x128xf32>
    %get3A_48 = arith.constant 0 : index
    %get3A_49 = arith.constant 0 : index
    %get3A_50 = arith.constant 0 : index
    %get3A_51 = vector.load %arg7[%get3A_48, %get3A_49, %get3A_50] : memref<1x128x128xf32, #tpu.memory_space<vmem>>, vector<1x128x128xf32>
    %get3A_52 = vector.shape_cast %get3A_51 : vector<1x128x128xf32> to vector<128x128xf32>
    %dot_general3A = arith.constant dense<0.000000e+00> : vector<1280x128xf32>
    %dot_general3A_53 = tpu.matmul %add3A_47, %get3A_52, %dot_general3A {dimension_numbers = #tpu.dot_dimension_numbers<[1], [0], [0], [1], [0, 0, 1, 1], [], []>, transpose_lhs_hint = false} : vector<1280x128xf32>, vector<128x128xf32>, vector<1280x128xf32> -> vector<1280x128xf32>
    %get3A_54 = arith.constant 0 : index
    %get3A_55 = arith.constant 0 : index
    %get3A_56 = arith.constant 0 : index
    %get3A_57 = vector.load %arg8[%get3A_54, %get3A_55, %get3A_56] : memref<1x1x128xf32, #tpu.memory_space<vmem>>, vector<1x1x128xf32>
    %get3A_58 = vector.shape_cast %get3A_57 : vector<1x1x128xf32> to vector<1x128xf32>
    %add3A_59 = vector.broadcast %get3A_58 : vector<1x128xf32> to vector<1280x128xf32>
    %add3A_60 = arith.addf %dot_general3A_53, %add3A_59 : vector<1280x128xf32>
    %swap3A = arith.constant 0 : index
    %swap3A_61 = arith.constant 0 : index
    %swap3A_62 = arith.constant 0 : index
    %swap3A_63 = vector.load %arg9[%swap3A, %swap3A_61, %swap3A_62] : memref<1x1280x128xf32, #tpu.memory_space<vmem>>, vector<1x1280x128xf32>
    %swap3A_64 = vector.shape_cast %swap3A_63 : vector<1x1280x128xf32> to vector<1280x128xf32>
    %swap3A_65 = vector.shape_cast %add3A_60 : vector<1280x128xf32> to vector<1x1280x128xf32>
    tpu.vector_store %arg9[%swap3A, %swap3A_61, %swap3A_62], %swap3A_65 {strides = array<i32>} : memref<1x1280x128xf32, #tpu.memory_space<vmem>>, vector<1x1280x128xf32>,
    return
  }
  func.func @transform_0(%arg0: i32, %arg1: i32) -> (i32, i32, i32) {
    %c0_i32 = arith.constant 0 : i32
    %c0_i32_0 = arith.constant 0 : i32
    return %arg0, %arg1, %c0_i32 : i32, i32, i32
  }
  func.func @transform_1(%arg0: i32, %arg1: i32) -> (i32, i32, i32) {
    %c0_i32 = arith.constant 0 : i32
    %c0_i32_0 = arith.constant 0 : i32
    return %arg0, %arg1, %c0_i32 : i32, i32, i32
  }
  func.func @transform_2(%arg0: i32, %arg1: i32) -> (i32, i32, i32) {
    %c0_i32 = arith.constant 0 : i32
    %c0_i32_0 = arith.constant 0 : i32
    return %arg0, %arg1, %c0_i32 : i32, i32, i32
  }
  func.func @transform_3(%arg0: i32, %arg1: i32) -> (i32, i32, i32) {
    %c0_i32 = arith.constant 0 : i32
    %c0_i32_0 = arith.constant 0 : i32
    %c0_i32_1 = arith.constant 0 : i32
    return %arg0, %c0_i32, %c0_i32_0 : i32, i32, i32
  }
  func.func @transform_4(%arg0: i32, %arg1: i32) -> (i32, i32, i32) {
    %c0_i32 = arith.constant 0 : i32
    %c0_i32_0 = arith.constant 0 : i32
    %c0_i32_1 = arith.constant 0 : i32
    return %arg0, %c0_i32, %c0_i32_0 : i32, i32, i32
  }
  func.func @transform_5(%arg0: i32, %arg1: i32) -> (i32, i32, i32) {
    %c0_i32 = arith.constant 0 : i32
    %c0_i32_0 = arith.constant 0 : i32
    %c0_i32_1 = arith.constant 0 : i32
    return %arg0, %c0_i32, %c0_i32_0 : i32, i32, i32
  }
  func.func @transform_6(%arg0: i32, %arg1: i32) -> (i32, i32, i32) {
    %c0_i32 = arith.constant 0 : i32
    %c0_i32_0 = arith.constant 0 : i32
    %c0_i32_1 = arith.constant 0 : i32
    return %arg0, %c0_i32, %c0_i32_0 : i32, i32, i32
  }
  func.func @transform_7(%arg0: i32, %arg1: i32) -> (i32, i32, i32) {
    %c0_i32 = arith.constant 0 : i32
    %c0_i32_0 = arith.constant 0 : i32
    return %arg0, %arg1, %c0_i32 : i32, i32, i32
  }
}

</mosaic_0001>

<sc_bundles>
// kernel: kernel.6.cloned.1.call-start
scs
__scs_entry_jumppad:
0x0: {  	(pc) =	sbr.rel $0x88, $3  }
0x1: {  	(tag) =	ssettag $0x0;
	lr =	simm.s32 $0x1  }
0x2: {  	[smem:$0x3F81] =	sst lr;
	_ =	strace $0xD0000000  }
0x3: {  	_ = 	snop  }
0x4: {  	_ = 	snop  }
0x5: {  	_ = 	snop  }
0x6: {  	_ = 	snop  }
0x7: {  	_ = 	snop  }
__scs_overlays_trampoline_lowered:
0x8: {  	[smem:$0x3F90] =	sst s0  }
0x9: {  	[smem:$0x3F91] =	sst s1  }
0xa: {  	[smem:$0x3F92] =	sst s2  }
0xb: {  	[smem:$0x3F93] =	sst s3  }
0xc: {  	[smem:$0x3F94] =	sst s4  }
0xd: {  	[smem:$0x3F95] =	sst s5  }
0xe: {  	[smem:$0x3F96] =	sst s6  }
0xf: {  	[smem:$0x3F97] =	sst s7  }
0x10: {  	[smem:$0x3F98] =	sst s8  }
0x11: {  	[smem:$0x3F99] =	sst s9;
	s0 =	simm.s32 @!p0 $0x0  }
0x12: {  	s1 =	sld [smem:$0x3F7F];
	s0 =	simm.s32 @p0 $0x1  }
0x13: {  	[smem:$0x3F9A] =	sst s0;
	s0 =	simm.s32 @!p1 $0x0  }
0x14: {  	s2 =	sld [smem:$0x3F7E];
	s0 =	simm.s32 @p1 $0x1  }
0x15: {  	[smem:$0x3F9B] =	sst s0;
	s0 =	simm.s32 @!p2 $0x0  }
0x16: {  	s3 =	sld [smem:$0x3FDB];
	s0 =	simm.s32 @p2 $0x1  }
0x17: {  	s4 =	simm.s32 $0x1BF5;
	[smem:$0x3F9D] =	sst s0  }
0x18: {  	s0 =	sld [smem:$0x3F80];
	_ =	swait.ge [sflag:s4], $0x0  }
0x19: {  	s7 =	sld [smem:$0x3F81]  }
0x1a: {  	s8 =	sadd.s32 $0xFFFFE003, lr  }
0x1b: {  	s9 =	sadd.s32 $0xFFFFFEF7, lr;
	s5 =	simm.s32 $0xFFFFFFFF;
	p2 =	slt.u32 s8, $0xFFFFF086  }
0x1c: {  	p1 =	slt.u32 s9, $0xF7A;
	s5 =	simm.s32 @!p2 $0x0  }
0x1d: {  	s5 =	simm.s32 @p1 $0x1;
	p0 =	seq.s32 s7, s2  }
0x1e: {  	s7 =	smul.u32 @!p0 $0xF7A, s2;
	p2 =	seq.s32 @!p0 s5, $0x0  }
0x1f: {  	s9 =	smul.u32 $0xF7A, s1;
	s8 =	simm.s32 @!p0 $0x1BF5;
	p2 =	por !p2, p0  }
0x20: {  	[sflag:s8] =	ssyncset.s32 @!p0 $0xFFFFF086;
	s6 =	sadd.s32 @!p0 s3, s7;
	s7 =	simm.s32 @!p0 $0x108  }
0x21: {  	s3 =	sadd.s32 s3, s9;
	s6 =	sadd.s32 @!p0 $0x88, s6;
	s7 =	simm.s32 @p2 $0x1082  }
0x22: {  	[simem:s7], [sflag:s8] =	dma.local @!p0 [hbm:s6], $0xF7A  }
0x23: {  	s9 =	sor.u32 $0xD0000000, s2;
	s6 =	simm.s32 $0x108;
	_ =	swait.ge @!p0 [sflag:s8], $0x0  }
0x24: {  	s3 =	sadd.s32 $0x88, s3;
	s6 =	simm.s32 @!p1 $0x1082;
	[sflag:s4] =	ssyncset.s32 $0xFFFFF086  }
0x25: {  	[simem:s6], [sflag:s4] =	dma.local [hbm:s3], $0xF7A  }
0x26: {  	[smem:$0x3F81] =	sst s1;
	(tag) =	ssettag s2;
	_ =	strace s9  }
0x27: {  	s1 =	sld [smem:$0x3F91]  }
0x28: {  	s2 =	sld [smem:$0x3F92]  }
0x29: {  	s4 =	sld [smem:$0x3F94]  }
0x2a: {  	p0 =	seq.s32 s5, $0x0;
	s5 =	sld [smem:$0x3F95]  }
0x2b: {  	s6 =	sld [smem:$0x3F96]  }
0x2c: {  	s7 =	sld [smem:$0x3F97]  }
0x2d: {  	s3 =	simm.s32 $0x108;
	s8 =	sld [smem:$0x3F98]  }
0x2e: {  	s3 =	simm.s32 @!p0 $0x1082;
	s9 =	sld [smem:$0x3F99]  }
0x2f: {  	lr =	sadd.s32 s0, s3;
	s0 =	sld [smem:$0x3F90]  }
0x30: {  	s3 =	sld [smem:$0x3F93]  }
0x31: {  	[smem:$0x3F9C] =	sst s10  }
0x32: {  	s10 =	sld [smem:$0x3F9A];
	_ =	sdelay $0x3  }
0x33: {  	p0 =	seq.s32 s10, $0x1;
	s10 =	sld [smem:$0x3F9C];
	_ =	sdelay $0x3  }
0x34: {  	[smem:$0x3F9C] =	sst s10  }
0x35: {  	s10 =	sld [smem:$0x3F9B];
	_ =	sdelay $0x3  }
0x36: {  	p1 =	seq.s32 s10, $0x1;
	s10 =	sld [smem:$0x3F9C];
	_ =	sdelay $0x3  }
0x37: {  	[smem:$0x3F9C] =	sst s10  }
0x38: {  	s10 =	sld [smem:$0x3F9D]  }
0x39: {  	_ = 	snop;
	(pc) =	sbr.ind lr, $3  }
0x3a: {  	_ = 	snop  }
0x3b: {  	_ = 	snop  }
0x3c: {  	p2 =	seq.s32 s10, $0x1;
	s10 =	sld [smem:$0x3F9C]  }
0x3d: {  	_ =	shalt  }
0x3e: {  	_ =	shalt  }
0x3f: {  	_ =	shalt  }
0x40: {  	_ =	shalt  }
0x41: {  	_ =	shalt  }
0x42: {  	_ =	shalt  }
0x43: {  	_ =	shalt  }
0x44: {  	_ =	shalt  }
0x45: {  	_ =	shalt  }
0x46: {  	_ =	shalt  }
0x47: {  	_ =	shalt  }
0x48: {  	_ =	shalt  }
0x49: {  	_ =	shalt  }
0x4a: {  	_ =	shalt  }
0x4b: {  	_ =	shalt  }
0x4c: {  	_ =	shalt  }
0x4d: {  	_ =	shalt  }
0x4e: {  	_ =	shalt  }
0x4f: {  	_ =	shalt  }
0x50: {  	_ =	shalt  }
0x51: {  	_ =	shalt  }
0x52: {  	_ =	shalt  }
0x53: {  	_ =	shalt  }
0x54: {  	_ =	shalt  }
0x55: {  	_ =	shalt  }
0x56: {  	_ =	shalt  }
0x57: {  	_ =	shalt  }
0x58: {  	_ =	shalt  }
0x59: {  	_ =	shalt  }
0x5a: {  	_ =	shalt  }
0x5b: {  	_ =	shalt  }
0x5c: {  	_ =	shalt  }
0x5d: {  	_ =	shalt  }
0x5e: {  	_ =	shalt  }
0x5f: {  	_ =	shalt  }
0x60: {  	_ =	shalt  }
0x61: {  	_ =	shalt  }
0x62: {  	_ =	shalt  }
0x63: {  	_ =	shalt  }
0x64: {  	_ =	shalt  }
0x65: {  	_ =	shalt  }
0x66: {  	_ =	shalt  }
0x67: {  	_ =	shalt  }
0x68: {  	_ =	shalt  }
0x69: {  	_ =	shalt  }
0x6a: {  	_ =	shalt  }
0x6b: {  	_ =	shalt  }
0x6c: {  	_ =	shalt  }
0x6d: {  	_ =	shalt  }
0x6e: {  	_ =	shalt  }
0x6f: {  	_ =	shalt  }
0x70: {  	_ =	shalt  }
0x71: {  	_ =	shalt  }
0x72: {  	_ =	shalt  }
0x73: {  	_ =	shalt  }
0x74: {  	_ =	shalt  }
0x75: {  	_ =	shalt  }
0x76: {  	_ =	shalt  }
0x77: {  	_ =	shalt  }
0x78: {  	_ =	shalt  }
0x79: {  	_ =	shalt  }
0x7a: {  	_ =	shalt  }
0x7b: {  	_ =	shalt  }
0x7c: {  	_ =	shalt  }
0x7d: {  	_ =	shalt  }
0x7e: {  	_ =	shalt  }
0x7f: {  	_ =	shalt  }
0x80: {  	_ =	shalt  }
0x81: {  	_ =	shalt  }
0x82: {  	_ =	shalt  }
0x83: {  	_ =	shalt  }
0x84: {  	_ =	shalt  }
0x85: {  	_ =	shalt  }
0x86: {  	_ =	shalt  }
0x87: {  	_ =	shalt  }
.Lfunc_end0:
.L_simem_size_0:
called_computation_lowered:
.L_overlay_start_0:
0x88: {  	s2 =	sld [smem:$0x3FD9]  }
0x89: {  	s3 =	sld [smem:$0x3FFE];
	_ =	sdelay $0x1  }
0x8a: {  	s1 =	srdreg.scid  }
0x8b: {  	s0 =	sand.u32 $0x1, s1  }
0x8c: {  	s14 =	sshll.u32 s0, $0xA;
	s2 =	sadd.s32 s3, s2  }
0x8d: {  	s2 =	sadd.s32 s2, s14  }
0x8e: {  	[smem:$0x3FA8] =	sst s2  }
0x8f: {  	_ = 	snop  }
0x90: {  	s2 =	sld [smem:$0x3FD0];
	_ =	sdelay $0x2  }
0x91: {  	s15 =	simm.s32 $0xA;
	s4 =	simm.s32 $0x10  }
0x92: {  	[smem:s4], [sflag:s15] =	dma.local [hbm:s2], $0x1  }
0x93: {  	_ =	swait.eq [sflag:s15], $0x1  }
0x94: {  	[sflag:s15] =	ssyncset.done $0x0  }
0x95: {  	s16 =	sld [smem:$0x10];
	[sflag:s15] =	ssyncadd.s32 $0xFFFFFFFF  }
0x96: {  	s17 =	sld [smem:$0x11];
	(tm) =	ssettm $0x1  }
0x97: {  	s18 =	sld [smem:$0x3FFB];
	_ =	sdelay $0x3  }
0x98: {  	_ =	strace s18  }
0x99: {  	s4 =	sld [smem:$0x3FFC];
	_ =	sdelay $0x3  }
0x9a: {  	_ =	strace s4  }
0x9b: {  	s4 =	sld [smem:$0x3FFD];
	_ =	sdelay $0x3  }
0x9c: {  	_ =	strace s4  }
0x9d: {  	_ =	strace $0x8FFFFFFF  }
0x9e: {  	s19 =	sld [smem:$0x3FDB];
	_ =	sdelay $0x1  }
0x9f: {  	s5 =	simm.s32 $_scs_section_size  }
0xa0: {  	s6 =	simm.s32 $_size__tile_overlayer_lowered;
	s7 =	simm.s32 $_tile_overlayer_lowered  }
0xa1: {  	s22 =	simm.s32 $0x1BFF;
	s21 =	sshll.u32 s7, $0x1;
	s4 =	sadd.s32 s5, s19  }
0xa2: {  	s8 =	simm.s32 $0x0;
	s20 =	sshll.u32 s6, $0x1;
	s6 =	sadd.s32 s21, s4  }
0xa3: {  	[timem:s8], [sflag:s22] =	dma.local [hbm:s6], s20  }
0xa4: {  	_ =	swait.ge [sflag:s22], s20  }
0xa5: {  	s5 =	ssub.s32 $0x0, s20;
	[sflag:s22] =	ssyncset.done $0x0  }
0xa6: {  	[sflag:s22] =	ssyncadd.s32 s5;
	_ =	sdelay $0x1  }
0xa7: {  	s23 =	simm.s32 $0x1B8B  }
0xa8: {  	_ =	swait.ge [sflag:s23], $0x1  }
0xa9: {  	[sflag:s23] =	ssyncset.done $0x0  }
0xaa: {  	s25 =	simm.s32 $0x1B8E;
	s24 =	sld [smem:$0x3FFE];
	[sflag:s23] =	ssyncadd.s32 $0xFFFFFFFF  }
0xab: {  	s26 =	simm.s32 $execute0_lowered;
	[smem:$0x3FD2] =	sst s25  }
0xac: {  	s6 =	sshll.u32 s26, $0x1;
	_ =	strace $0x80000046;
	[dreg:$0x1] =	wrdreg $0xFFFFFFFF  }
0xad: {  	s28 =	simm.s32 $_size_execute0_lowered;
	s4 =	sadd.s32 s4, s6;
	[dreg:$0x0] =	wrdreg $0x0  }
0xae: {  	s6 =	sshll.u32 s28, $0x1;
	[dreg:$0x2] =	wrdreg s4  }
0xaf: {  	[dreg:$0x3] =	wrdreg s6  }
0xb0: {  	[dreg:$0x4] =	wrdreg $0xC0  }
0xb1: {  	_ =	task [dreg:s8], $0x5FFFF  }
0xb2: {  	[dreg:$0x1] =	wrdreg $0xFFFFFFFF  }
0xb3: {  	[dreg:$0x0] =	wrdreg $0x60  }
0xb4: {  	[dreg:$0x2] =	wrdreg s24  }
0xb5: {  	[dreg:$0x3] =	wrdreg s16  }
0xb6: {  	[dreg:$0x4] =	wrdreg s17  }
0xb7: {  	[dreg:$0x5] =	wrdreg $0x84800  }
0xb8: {  	[dreg:$0x6] =	wrdreg $0x1C4800  }
0xb9: {  	[dreg:$0x7] =	wrdreg $0x9  }
0xba: {  	_ =	task.clear_ibuf [dreg:s8], $0x8FFFF;
	_ =	strace $0x90000046  }
0xbb: {  	s29 =	simm.s32 $0x9;
	_ =	strace $0x80000048  }
0xbc: {  	_ =	swait.ge [sflag:s29], $0x1  }
0xbd: {  	[sflag:s29] =	ssyncadd.s32 $0xFFFFFFFF  }
0xbe: {  	_ =	strace $0x90000048  }
0xbf: {  	_ =	sfence  }
0xc0: {  	s30 =	sld [smem:$0x0];
	_ =	sdelay $0x2  }
0xc1: {  	s31 =	sshll.u32 s1, $0xD;
	s1 =	sshrl.u32 s1, $0x2  }
0xc2: {  	s3 =	sand.u32 $0x4000, s31;
	s1 =	sadd.s32 s1, s30  }
0xc3: {  	s0 =	sor.u32 s3, s0;
	s1 =	sshll.u32 s1, $0x11  }
0xc4: {  	s0 =	sor.u32 s1, s0  }
0xc5: {  	s0 =	sadd.s32 $0x8F2B, s0  }
0xc6: {  	[sflag:s0] =	ssyncadd.remote.s32 $0x1  }
0xc7: {  	_ =	sfence.sel $0xFFFF  }
0xc8: {  	[dreg:$0x0] =	wrdreg $0xFFFFFFFF;
	(pc) =	sbr.abs _section_cstart, $3  }
0xc9: {  	[dreg:$0x1] =	wrdreg $0xFFFFFFFF  }
0xca: {  	_ =	task.clear_ibuf [dreg:s8], $0x2FFFF;
	_ =	strace $0x9FFFFFFF  }
0xcb: {  	(tm) =	ssettm $0x7FFFFFFF  }
tec
execute0_lowered:
.L_overlay_start_1:
0x0: {  	(tag) =	ssettag $0x1  }
0x1: {  	s0 =	rddreg [dreg:$0x0]  }
0x2: {  	s1 =	rddreg [dreg:$0x1]  }
0x3: {  	s3 =	rddreg [dreg:$0x2]  }
0x4: {  	s4 =	rddreg [dreg:$0x3];
	s16 =	stileid.u32  }
0x5: {  	s5 =	rddreg [dreg:$0x4];
	s6 =	simm.s32 $0x0;
	s2 =	smul.u32 $0x14000, s16  }
0x6: {  	s7 =	srdreg.scid;
	s31 =	simm.s32 $0x8400;
	s8 =	smul.u32 $0x280, s16  }
0x7: {  	s28 =	simm.s32 $0x1;
	s29 =	simm.s32 $0x3;
	s12 =	smul.u32 $0x500, s16  }
0x8: {  	s30 =	simm.s32 $0x4;
	[smem:$0x7FF] =	sst s6;
	s19 =	smul.u32 $0x50000, s16  }
0x9: {  	s9 =	sand.u32 $0x1, s7;
	s7 =	sadd.s32 $0x5000, s0;
	s15 =	smul.u32 $0x5000, s16  }
0xa: {  	s22 =	sshll.u32 s16, $0x6;
	_ =	strace $0x80000047;
	s11 =	smul.u32 $0x140000, s9  }
0xb: {  	s18 =	sshll.u32 s9, $0x7;
	s20 =	ssub.s32 $0x2, s9;
	s14 =	smul.u32 $0x50000, s9  }
0xc: {  	s9 =	sor.u32 $0x1C05, s22;
	[dreg:$0x6] =	wrdreg s31;
	s10 =	sshrl.u32 s2, $0x3  }
0xd: {  	s13 =	sshrl.u32 s8, $0x3;
	s21 =	sshrl.u32 s20, $0x1;
	s8 =	sadd.s32 s8, s5  }
0xe: {  	s10 =	sadd.s32 s10, s0;
	s2 =	sadd.s32 s2, s11;
	s13 =	sadd.s32 s13, s0  }
0xf: {  	s11 =	sor.u32 s18, s12;
	s12 =	sshrl.u32 s19, $0x2;
	s2 =	sshrl.u32 s2, $0x3  }
0x10: {  	s11 =	sshrl.u32 s11, $0x3;
	s12 =	sadd.s32 s12, s4;
	s10 =	sadd.s32 $0x55000, s10  }
0x11: {  	s13 =	sadd.s32 $0x7D000, s13;
	s2 =	sadd.s32 s2, s0;
	s0 =	sadd.s32 s11, s0  }
0x12: {  	s11 =	ssub.s32 s20, s21;
	[dreg:$0x7] =	wrdreg s10;
	s10 =	sadd.s32 s15, s14  }
0x13: {  	[dreg:$0x8] =	wrdreg s13;
	s19 =	sshrl.u32 s12, $0x3;
	s20 =	simm.s32 $0x5  }
0x14: {  	s21 =	sshrl.u32 s8, $0x3;
	s23 =	sshrl.u32 s10, $0x3;
	s2 =	sadd.s32 $0x7E000, s2  }
0x15: {  	s17 =	sadd.s32 $0x7D600, s0;
	s24 =	sadd.s32 s1, s23;
	[dreg:$0xd] =	wrdreg s2  }
0x16: {  	s25 =	sadd.s32 s3, s23;
	s13 =	sor.u32 $0x10, s23;
	[dreg:$0x9] =	wrdreg s24  }
0x17: {  	s18 =	smax.u32 s11, $0x1;
	[dreg:$0xa] =	wrdreg s25;
	s26 =	sadd.s32 s1, s13  }
0x18: {  	s23 =	simm.s32 $0x80;
	s13 =	sadd.s32 s3, s13;
	[dreg:$0xb] =	wrdreg s26  }
0x19: {  	v0 =	vimm.f32 $1.000000000e+00;
	s2 =	simm.s32 $0x0;
	[dreg:$0xc] =	wrdreg s13;
	s26 =	simm.s32 $0x2  }
.LBB2_1:
0x1a: {  	s0 =	rddreg [dreg:$0x7]  }
0x1b: {  	[spmem:s19], [sflag:s9] =	dma.local [hbm:s0], $0x2800  }
0x1c: {  	_ =	swait.ge [sflag:s20], $0x2800  }
0x1d: {  	[sflag:s20] =	ssyncset.done $0x0  }
0x1e: {  	s24 =	rddreg [dreg:$0x8];
	[sflag:s20] =	ssyncadd.s32 $0xFFFFD800  }
0x1f: {  	[spmem:s21], [sflag:s9] =	dma.local [hbm:s24], $0x50  }
0x20: {  	_ =	swait.ge [sflag:s20], $0x50  }
0x21: {  	[sflag:s20] =	ssyncset.done $0x0  }
0x22: {  	[sflag:s20] =	ssyncadd.s32 $0xFFFFFFB0  }
0x23: {  	[tilespmem:$0x8400] =	vst v0  }
0x24: {  	[tilespmem:$0x8410] =	vst v0  }
0x25: {  	[tilespmem:$0x8420] =	vst v0  }
0x26: {  	[tilespmem:$0x8430] =	vst v0  }
0x27: {  	[tilespmem:$0x8440] =	vst v0  }
0x28: {  	[tilespmem:$0x8450] =	vst v0  }
0x29: {  	[tilespmem:$0x8460] =	vst v0  }
0x2a: {  	[tilespmem:$0x8470] =	vst v0  }
0x2b: {  	[bflag:$0x0] =	sbarrier.arrive $0xFFFF  }
0x2c: {  	s25 =	rddreg [dreg:$0x9]  }
0x2d: {  	[tilespmem:s6], [sflag:$0x5] =	stream.linear.gather [hbm4b:s25+s6], $0x80, $0x38;
	[tilespmem:$0x1C700] =	vst v63  }
0x2e: {  	_ =	swait.ge [sflag:s20], $0x80  }
0x2f: {  	s8 =	simm.s32 $0x200;
	[sflag:s20] =	ssyncset.done $0x0  }
0x30: {  	s12 =	simm.s32 $0x280;
	s31 =	rddreg [dreg:$0xa];
	[sflag:s20] =	ssyncadd.s32 $0xFFFFFF80  }
0x31: {  	[tilespmem:s8], [sflag:$0x5] =	stream.linear.gather [hbm4b:s31+s6], $0x80, $0x38;
	[tilespmem:$0x1C700] =	vst v63  }
0x32: {  	s13 =	simm.s32 $0x400;
	p1 =	por $0x1, $0x1;
	_ =	swait.ge [sflag:s20], $0x80  }
0x33: {  	s22 =	simm.s32 $0x1;
	p0 =	por $0x0, $0x0;
	[sflag:s20] =	ssyncset.done $0x0  }
0x34: {  	s14 =	simm.s32 $0x0;
	s8 =	rddreg [dreg:$0xb];
	[sflag:s20] =	ssyncadd.s32 $0xFFFFFF80  }
0x35: {  	[tilespmem:s23], [sflag:$0x2] =	stream.linear.gather [hbm4b:s8+s6], $0x80, $0x38;
	[tilespmem:$0x1C700] =	vst v63  }
0x36: {  	p2 =	por $0x1, $0x1;
	s24 =	simm.s32 $0x2;
	s11 =	rddreg [dreg:$0xc]  }
0x37: {  	[tilespmem:s12], [sflag:$0x2] =	stream.linear.gather [hbm4b:s11+s6], $0x80, $0x38;
	[tilespmem:$0x1C700] =	vst v63  }
0x38: {  	s0 =	simm.s32 @!p1 $0x3;
	s8 =	smul.u32 $0xAB, s14;
	s11 =	sand.u32 $0xFF, s24  }
0x39: {  	[tilespmem:s13], [sflag:$0x1] =	stream.indirect.gather [hbm4b:s7+s23], $0x80, s6, s23, $0xb8;
	[tilespmem:$0x1C700] =	vst v63  }
0x3a: {  	s12 =	simm.s32 $0x2;
	s8 =	sshrl.u32 s8, $0x9;
	_ =	swait.ge @!p1 [sflag:s0], $0x4000  }
0x3b: {  	s12 =	simm.s32 @!p2 $0xFFFFFF62;
	s11 =	smul.u32 $0xAB, s11;
	[sflag:s0] =	ssyncset.done @!p1 $0x0  }
0x3c: {  	s8 =	sand.u32 $0x7F, s8;
	[sflag:s0] =	ssyncadd.s32 @!p1 $0xFFFFC000;
	s0 =	simm.s32 @!p1 $0x4  }
0x3d: {  	s13 =	sand.u32 @!p0 $0xFF, s28;
	s8 =	smul.u32 $0x3, s8;
	_ =	swait.ge @!p1 [sflag:s0], $0x80  }
0x3e: {  	s11 =	sshrl.u32 s11, $0x9;
	s13 =	smul.u32 @!p0 $0xAB, s13;
	[sflag:s0] =	ssyncset.done @!p1 $0x0  }
0x3f: {  	s15 =	sadd.s32 $0x0, s12;
	s11 =	smul.u32 $0x3, s11;
	[sflag:s0] =	ssyncadd.s32 @!p1 $0xFFFFFF80  }
0x40: {  	s31 =	ssub.s32 $0x0, s8;
	s0 =	sshll.u32 s15, $0x7;
	_ =	swait.ge [sflag:s26], $0x80  }
0x41: {  	s16 =	sand.u32 $0x380, s0;
	s0 =	sand.u32 $0x7C00, s0;
	[sflag:s26] =	ssyncset.done $0x0  }
0x42: {  	s12 =	sshrl.u32 @!p0 s13, $0x9;
	s0 =	sadd.s32 s10, s0;
	[sflag:s26] =	ssyncadd.s32 $0xFFFFFF80  }
0x43: {  	s11 =	ssub.s32 $0x2, s11;
	s0 =	sor.u32 s16, s0;
	_ =	swait.ge [sflag:s26], $0x80  }
0x44: {  	s11 =	sand.u32 $0xFF, s11;
	s0 =	sshrl.u32 s0, $0x3;
	[sflag:s26] =	ssyncset.done $0x0  }
0x45: {  	s11 =	sshll.u32 s11, $0x7;
	s25 =	sadd.s32 s1, s0;
	[sflag:s26] =	ssyncadd.s32 $0xFFFFFF80  }
0x46: {  	[tilespmem:s11], [sflag:$0x2] =	stream.linear.gather [hbm4b:s25+s6], $0x80, $0x38;
	[tilespmem:$0x1C700] =	vst v63  }
0x47: {  	s13 =	sxor.u32 @!p0 $0xFFFFFFFF, s6;
	s0 =	sadd.s32 s3, s0;
	s11 =	sor.u32 $0x200, s11  }
0x48: {  	[tilespmem:s11], [sflag:$0x2] =	stream.linear.gather [hbm4b:s0+s6], $0x80, $0x38;
	[tilespmem:$0x1C700] =	vst v63  }
0x49: {  	s14 =	sand.u32 $0xFB, s31;
	s13 =	sand.u32 @!p0 $0x4000, s13;
	s0 =	smul.u32 @!p0 $0x3, s12  }
0x4a: {  	s14 =	sshll.u32 s14, $0x7;
	s25 =	simm.s32 $0x4000;
	s11 =	sor.u32 @!p0 $0x400, s13  }
0x4b: {  	s12 =	simm.s32 @!p0 $0x80;
	_ =	swait.ge [sflag:s28], $0x4000;
	s0 =	ssub.s32 @!p0 $0x1, s0  }
0x4c: {  	s13 =	sand.u32 $0x4000, s6;
	[sflag:s28] =	ssyncset.done $0x0;
	s0 =	sand.u32 @!p0 $0xFF, s0  }
0x4d: {  	s8 =	rddreg [dreg:$0x6];
	[sflag:s28] =	ssyncadd.s32 $0xFFFFC000;
	s0 =	sshll.u32 @!p0 s0, $0x7  }
.LBB2_2:
0x4e: {  	[tilespmem:s11], [sflag:$0x1] =	stream.indirect.gather @!p0 [hbm4b:s7+s12], $0x80, s0, s12, $0xb8;
	[tilespmem:$0x1C700] =	vst v63  }
0x4f: {  	s11 =	smov.u32 s22  }
0x50: {  	s0 =	smov.u32 s24;
	s31 =	smov.u32 s25;
	s22 =	sadd.s32 $0x1, s22  }
0x51: {  	s13 =	sor.u32 $0x400, s13;
	s15 =	sor.u32 $0x200, s14;
	p2 =	seq.s32 s25, $0x0  }
0x52: {  	s24 =	sadd.s32 $0x1, s24;
	p1 =	sne.s32 s22, $0xA0;
	s12 =	simm.s32 @!p2 $0x3  }
0x53: {  	[spmem:s4] =	stream.indirect.scatter.add.f32 [tilespmem:s13], [sflag:$0x3], $0x80, s15, s23, $0xb8;
	[tilespmem:$0x1C700] =	vst v63  }
0x54: {  	p0 =	seq.s32 s11, $0x9F;
	p3 =	slt.u32 s11, $0x9E;
	s16 =	sand.u32 $0xFF, s24  }
0x55: {  	[spmem:s5] =	stream.indirect.scatter.add.f32 [tilespmem:s8], [sflag:$0x4], $0x1, s15, s23, $0xb8;
	[tilespmem:$0x1C700] =	vst v63  }
0x56: {  	s14 =	smul.u32 $0xAB, s16;
	s15 =	simm.s32 $0x2;
	_ =	swait.ge @!p2 [sflag:s12], $0x4000  }
0x57: {  	s8 =	sadd.s32 $0xFFFFFFFF, s0;
	s15 =	simm.s32 @!p3 $0xFFFFFF62;
	[sflag:s12] =	ssyncset.done @!p2 $0x0  }
0x58: {  	s11 =	sadd.s32 s15, s11;
	[sflag:s12] =	ssyncadd.s32 @!p2 $0xFFFFC000;
	s12 =	simm.s32 @!p2 $0x4  }
0x59: {  	s13 =	smul.u32 $0xAB, s8;
	s11 =	sshll.u32 s11, $0x7;
	_ =	swait.ge @!p2 [sflag:s12], $0x80  }
0x5a: {  	s16 =	sand.u32 $0x380, s11;
	s11 =	sand.u32 $0x7C00, s11;
	[sflag:s12] =	ssyncset.done @!p2 $0x0  }
0x5b: {  	s15 =	sshrl.u32 s14, $0x9;
	s11 =	sadd.s32 s10, s11;
	[sflag:s12] =	ssyncadd.s32 @!p2 $0xFFFFFF80  }
0x5c: {  	s12 =	sshrl.u32 s13, $0x9;
	s13 =	smul.u32 $0x3, s15;
	_ =	swait.ge [sflag:s26], $0x80  }
0x5d: {  	s15 =	sand.u32 @!p0 $0xFF, s0;
	s11 =	sor.u32 s16, s11;
	[sflag:s26] =	ssyncset.done $0x0  }
0x5e: {  	s11 =	sshrl.u32 s11, $0x3;
	s15 =	smul.u32 @!p0 $0xAB, s15;
	[sflag:s26] =	ssyncadd.s32 $0xFFFFFF80  }
0x5f: {  	s12 =	sand.u32 $0x7F, s12;
	s13 =	ssub.s32 s24, s13;
	_ =	swait.ge [sflag:s26], $0x80  }
0x60: {  	s16 =	sadd.s32 s1, s11;
	s13 =	sand.u32 $0xFF, s13;
	[sflag:s26] =	ssyncset.done $0x0  }
0x61: {  	s11 =	sadd.s32 s3, s11;
	s13 =	sshll.u32 s13, $0x7;
	[sflag:s26] =	ssyncadd.s32 $0xFFFFFF80  }
0x62: {  	[tilespmem:s13], [sflag:$0x2] =	stream.linear.gather [hbm4b:s16+s6], $0x80, $0x38;
	[tilespmem:$0x1C700] =	vst v63  }
0x63: {  	s14 =	sshrl.u32 @!p0 s15, $0x9;
	s13 =	sor.u32 $0x200, s13;
	s16 =	smul.u32 $0x3, s12  }
0x64: {  	[tilespmem:s13], [sflag:$0x2] =	stream.linear.gather [hbm4b:s11+s6], $0x80, $0x38;
	[tilespmem:$0x1C700] =	vst v63  }
0x65: {  	s15 =	sxor.u32 @!p0 $0xFFFFFFFF, s25;
	s25 =	sadd.s32 $0x4000, s25;
	s13 =	smul.u32 @!p0 $0x3, s14  }
.Ltmp0:
0x66: {  	s15 =	sand.u32 @!p0 $0x4000, s15;
	s12 =	simm.s32 @!p0 $0x80;
	(pc) =	sbr.rel @p1 .LBB2_2-.Ltmp0, $4  }
0x67: {  	s11 =	sor.u32 @!p0 $0x400, s15;
	s16 =	ssub.s32 s8, s16;
	_ =	swait.ge [sflag:s28], $0x4000  }
0x68: {  	s14 =	sand.u32 $0xFB, s16;
	[sflag:s28] =	ssyncset.done $0x0;
	s0 =	ssub.s32 @!p0 s0, s13  }
0x69: {  	s8 =	rddreg [dreg:$0x6];
	s13 =	sand.u32 $0x4000, s31;
	s0 =	sand.u32 @!p0 $0xFF, s0  }
0x6a: {  	s14 =	sshll.u32 s14, $0x7;
	[sflag:s28] =	ssyncadd.s32 $0xFFFFC000;
	s0 =	sshll.u32 @!p0 s0, $0x7  }
0x6b: {  	[tilespmem:s11], [sflag:$0x1] =	stream.indirect.gather @!p0 [hbm4b:s7+s12], $0x80, s0, s12, $0xb8;
	[tilespmem:$0x1C700] =	vst v63  }
0x6c: {  	s16 =	sor.u32 $0x400, s13;
	s22 =	sor.u32 $0x200, s14  }
0x6d: {  	[spmem:s4] =	stream.indirect.scatter.add.f32 [tilespmem:s16], [sflag:$0x3], $0x80, s22, s23, $0xb8;
	[tilespmem:$0x1C700] =	vst v63  }
0x6e: {  	_ = 	snop  }
0x6f: {  	[spmem:s5] =	stream.indirect.scatter.add.f32 [tilespmem:s8], [sflag:$0x4], $0x1, s22, s23, $0xb8;
	[tilespmem:$0x1C700] =	vst v63  }
0x70: {  	_ =	swait.ge [sflag:s29], $0x4000  }
0x71: {  	[sflag:s29] =	ssyncset.done $0x0  }
0x72: {  	[sflag:s29] =	ssyncadd.s32 $0xFFFFC000  }
0x73: {  	_ =	swait.ge [sflag:s30], $0x80  }
0x74: {  	[sflag:s30] =	ssyncset.done $0x0  }
0x75: {  	[sflag:s30] =	ssyncadd.s32 $0xFFFFFF80  }
0x76: {  	_ =	swait.ge [sflag:s26], $0x80  }
0x77: {  	[sflag:s26] =	ssyncset.done $0x0  }
0x78: {  	[sflag:s26] =	ssyncadd.s32 $0xFFFFFF80  }
0x79: {  	_ =	swait.ge [sflag:s26], $0x80  }
0x7a: {  	[sflag:s26] =	ssyncset.done $0x0  }
0x7b: {  	[sflag:s26] =	ssyncadd.s32 $0xFFFFFF80  }
0x7c: {  	[bflag:$0x0] =	sbarrier.arrive $0xFFFF  }
0x7d: {  	s24 =	rddreg [dreg:$0xd]  }
0x7e: {  	[hbm:s24], [sflag:s9] =	dma.local [spmem:s19], $0x2800  }
0x7f: {  	s2 =	sadd.s32 $0x1, s2;
	_ =	swait.ge [sflag:s20], $0x2800  }
0x80: {  	s25 =	simm.s32 $0x20;
	p0 =	sne.s32 s2, s18;
	[sflag:s20] =	ssyncset.done $0x0  }
.Ltmp1:
0x81: {  	s31 =	simm.s32 $0x10;
	[sflag:s20] =	ssyncadd.s32 $0xFFFFD800;
	(pc) =	sbr.rel @p0 .LBB2_1-.Ltmp1, $4  }
0x82: {  	[hbm:s17@s25], [sflag:s9] =	dma.strided [spmem:s21@s31], $0x50, s28, $0x10   }
0x83: {  	_ =	swait.ge [sflag:s20], $0x50  }
0x84: {  	[sflag:s20] =	ssyncset.done $0x0  }
0x85: {  	[sflag:s20] =	ssyncadd.s32 $0xFFFFFFB0  }
0x86: {  	_ =	sfence.sel $0x180000  }
0x87: {  	[bflag:$0x0] =	sbarrier.arrive $0xFFFF  }
0x88: {  	_ =	strace $0x90000047  }
0x89: {  	s0 =	stileid.u32;
	[bflag:$0x2] =	sbarrier.arrive $0xFFFF  }
0x8a: {  	p0 =	sne.s32 s0, $0x0;
	s0 =	rddreg [dreg:$0x5]  }
0x8b: {  	s0 =	sadd.s32 @!p0 $0x100000, s0  }
0x8c: {  	[sflag:s0] =	ssyncadd.tile.s32 @!p0 $0x1;
	_ =	shalt  }
.Lfunc_end2:
_tile_overlayer_lowered:
.L_overlay_start_2:
0x8d: {  	(tag) =	ssettag $0x2  }
0x8e: {  	s0 =	rddreg [dreg:$0x0];
	s2 =	stileid.u32  }
0x8f: {  	s1 =	rddreg [dreg:$0x1];
	p0 =	sne.s32 s2, $0x0  }
0x90: {  	s3 =	rddreg [dreg:$0x2];
	[bflag:$0x3] =	sbarrier.arrive $0xFFFF;
	s2 =	simm.s32 @!p0 $0x1C05  }
0x91: {  	[timem:s3], [sflag:s2] =	dma.local @!p0 [hbm:s0], s1  }
0x92: {  	s0 =	simm.s32 @!p0 $0x5  }
0x93: {  	_ =	swait.ge @!p0 [sflag:s0], s1  }
0x94: {  	s1 =	ssub.s32 @!p0 $0x0, s1;
	[sflag:s0] =	ssyncset.done @!p0 $0x0  }
0x95: {  	[sflag:s0] =	ssyncadd.s32 @!p0 s1  }
0x96: {  	[bflag:$0x3] =	sbarrier.arrive $0xFFFF  }
0x97: {  	_ =	shalt  }

// kernel: kernel.9.cloned.1.call-start
scs
__scs_entry_jumppad:
0x0: {  	(pc) =	sbr.rel $0x88, $3  }
0x1: {  	(tag) =	ssettag $0x0;
	lr =	simm.s32 $0x1  }
0x2: {  	[smem:$0x3F81] =	sst lr;
	_ =	strace $0xD0000000  }
0x3: {  	_ = 	snop  }
0x4: {  	_ = 	snop  }
0x5: {  	_ = 	snop  }
0x6: {  	_ = 	snop  }
0x7: {  	_ = 	snop  }
__scs_overlays_trampoline_lowered:
0x8: {  	[smem:$0x3F90] =	sst s0  }
0x9: {  	[smem:$0x3F91] =	sst s1  }
0xa: {  	[smem:$0x3F92] =	sst s2  }
0xb: {  	[smem:$0x3F93] =	sst s3  }
0xc: {  	[smem:$0x3F94] =	sst s4  }
0xd: {  	[smem:$0x3F95] =	sst s5  }
0xe: {  	[smem:$0x3F96] =	sst s6  }
0xf: {  	[smem:$0x3F97] =	sst s7  }
0x10: {  	[smem:$0x3F98] =	sst s8  }
0x11: {  	[smem:$0x3F99] =	sst s9;
	s0 =	simm.s32 @!p0 $0x0  }
0x12: {  	s1 =	sld [smem:$0x3F7F];
	s0 =	simm.s32 @p0 $0x1  }
0x13: {  	[smem:$0x3F9A] =	sst s0;
	s0 =	simm.s32 @!p1 $0x0  }
0x14: {  	s2 =	sld [smem:$0x3F7E];
	s0 =	simm.s32 @p1 $0x1  }
0x15: {  	[smem:$0x3F9B] =	sst s0;
	s0 =	simm.s32 @!p2 $0x0  }
0x16: {  	s3 =	sld [smem:$0x3FDB];
	s0 =	simm.s32 @p2 $0x1  }
0x17: {  	s4 =	simm.s32 $0x1BF5;
	[smem:$0x3F9D] =	sst s0  }
0x18: {  	s0 =	sld [smem:$0x3F80];
	_ =	swait.ge [sflag:s4], $0x0  }
0x19: {  	s7 =	sld [smem:$0x3F81]  }
0x1a: {  	s8 =	sadd.s32 $0xFFFFE003, lr  }
0x1b: {  	s9 =	sadd.s32 $0xFFFFFEF7, lr;
	s5 =	simm.s32 $0xFFFFFFFF;
	p2 =	slt.u32 s8, $0xFFFFF086  }
0x1c: {  	p1 =	slt.u32 s9, $0xF7A;
	s5 =	simm.s32 @!p2 $0x0  }
0x1d: {  	s5 =	simm.s32 @p1 $0x1;
	p0 =	seq.s32 s7, s2  }
0x1e: {  	s7 =	smul.u32 @!p0 $0xF7A, s2;
	p2 =	seq.s32 @!p0 s5, $0x0  }
0x1f: {  	s9 =	smul.u32 $0xF7A, s1;
	s8 =	simm.s32 @!p0 $0x1BF5;
	p2 =	por !p2, p0  }
0x20: {  	[sflag:s8] =	ssyncset.s32 @!p0 $0xFFFFF086;
	s6 =	sadd.s32 @!p0 s3, s7;
	s7 =	simm.s32 @!p0 $0x108  }
0x21: {  	s3 =	sadd.s32 s3, s9;
	s6 =	sadd.s32 @!p0 $0x88, s6;
	s7 =	simm.s32 @p2 $0x1082  }
0x22: {  	[simem:s7], [sflag:s8] =	dma.local @!p0 [hbm:s6], $0xF7A  }
0x23: {  	s9 =	sor.u32 $0xD0000000, s2;
	s6 =	simm.s32 $0x108;
	_ =	swait.ge @!p0 [sflag:s8], $0x0  }
0x24: {  	s3 =	sadd.s32 $0x88, s3;
	s6 =	simm.s32 @!p1 $0x1082;
	[sflag:s4] =	ssyncset.s32 $0xFFFFF086  }
0x25: {  	[simem:s6], [sflag:s4] =	dma.local [hbm:s3], $0xF7A  }
0x26: {  	[smem:$0x3F81] =	sst s1;
	(tag) =	ssettag s2;
	_ =	strace s9  }
0x27: {  	s1 =	sld [smem:$0x3F91]  }
0x28: {  	s2 =	sld [smem:$0x3F92]  }
0x29: {  	s4 =	sld [smem:$0x3F94]  }
0x2a: {  	p0 =	seq.s32 s5, $0x0;
	s5 =	sld [smem:$0x3F95]  }
0x2b: {  	s6 =	sld [smem:$0x3F96]  }
0x2c: {  	s7 =	sld [smem:$0x3F97]  }
0x2d: {  	s3 =	simm.s32 $0x108;
	s8 =	sld [smem:$0x3F98]  }
0x2e: {  	s3 =	simm.s32 @!p0 $0x1082;
	s9 =	sld [smem:$0x3F99]  }
0x2f: {  	lr =	sadd.s32 s0, s3;
	s0 =	sld [smem:$0x3F90]  }
0x30: {  	s3 =	sld [smem:$0x3F93]  }
0x31: {  	[smem:$0x3F9C] =	sst s10  }
0x32: {  	s10 =	sld [smem:$0x3F9A];
	_ =	sdelay $0x3  }
0x33: {  	p0 =	seq.s32 s10, $0x1;
	s10 =	sld [smem:$0x3F9C];
	_ =	sdelay $0x3  }
0x34: {  	[smem:$0x3F9C] =	sst s10  }
0x35: {  	s10 =	sld [smem:$0x3F9B];
	_ =	sdelay $0x3  }
0x36: {  	p1 =	seq.s32 s10, $0x1;
	s10 =	sld [smem:$0x3F9C];
	_ =	sdelay $0x3  }
0x37: {  	[smem:$0x3F9C] =	sst s10  }
0x38: {  	s10 =	sld [smem:$0x3F9D]  }
0x39: {  	_ = 	snop;
	(pc) =	sbr.ind lr, $3  }
0x3a: {  	_ = 	snop  }
0x3b: {  	_ = 	snop  }
0x3c: {  	p2 =	seq.s32 s10, $0x1;
	s10 =	sld [smem:$0x3F9C]  }
0x3d: {  	_ =	shalt  }
0x3e: {  	_ =	shalt  }
0x3f: {  	_ =	shalt  }
0x40: {  	_ =	shalt  }
0x41: {  	_ =	shalt  }
0x42: {  	_ =	shalt  }
0x43: {  	_ =	shalt  }
0x44: {  	_ =	shalt  }
0x45: {  	_ =	shalt  }
0x46: {  	_ =	shalt  }
0x47: {  	_ =	shalt  }
0x48: {  	_ =	shalt  }
0x49: {  	_ =	shalt  }
0x4a: {  	_ =	shalt  }
0x4b: {  	_ =	shalt  }
0x4c: {  	_ =	shalt  }
0x4d: {  	_ =	shalt  }
0x4e: {  	_ =	shalt  }
0x4f: {  	_ =	shalt  }
0x50: {  	_ =	shalt  }
0x51: {  	_ =	shalt  }
0x52: {  	_ =	shalt  }
0x53: {  	_ =	shalt  }
0x54: {  	_ =	shalt  }
0x55: {  	_ =	shalt  }
0x56: {  	_ =	shalt  }
0x57: {  	_ =	shalt  }
0x58: {  	_ =	shalt  }
0x59: {  	_ =	shalt  }
0x5a: {  	_ =	shalt  }
0x5b: {  	_ =	shalt  }
0x5c: {  	_ =	shalt  }
0x5d: {  	_ =	shalt  }
0x5e: {  	_ =	shalt  }
0x5f: {  	_ =	shalt  }
0x60: {  	_ =	shalt  }
0x61: {  	_ =	shalt  }
0x62: {  	_ =	shalt  }
0x63: {  	_ =	shalt  }
0x64: {  	_ =	shalt  }
0x65: {  	_ =	shalt  }
0x66: {  	_ =	shalt  }
0x67: {  	_ =	shalt  }
0x68: {  	_ =	shalt  }
0x69: {  	_ =	shalt  }
0x6a: {  	_ =	shalt  }
0x6b: {  	_ =	shalt  }
0x6c: {  	_ =	shalt  }
0x6d: {  	_ =	shalt  }
0x6e: {  	_ =	shalt  }
0x6f: {  	_ =	shalt  }
0x70: {  	_ =	shalt  }
0x71: {  	_ =	shalt  }
0x72: {  	_ =	shalt  }
0x73: {  	_ =	shalt  }
0x74: {  	_ =	shalt  }
0x75: {  	_ =	shalt  }
0x76: {  	_ =	shalt  }
0x77: {  	_ =	shalt  }
0x78: {  	_ =	shalt  }
0x79: {  	_ =	shalt  }
0x7a: {  	_ =	shalt  }
0x7b: {  	_ =	shalt  }
0x7c: {  	_ =	shalt  }
0x7d: {  	_ =	shalt  }
0x7e: {  	_ =	shalt  }
0x7f: {  	_ =	shalt  }
0x80: {  	_ =	shalt  }
0x81: {  	_ =	shalt  }
0x82: {  	_ =	shalt  }
0x83: {  	_ =	shalt  }
0x84: {  	_ =	shalt  }
0x85: {  	_ =	shalt  }
0x86: {  	_ =	shalt  }
0x87: {  	_ =	shalt  }
.Lfunc_end0:
.L_simem_size_0:
called_computation.1_lowered:
.L_overlay_start_0:
0x88: {  	s2 =	sld [smem:$0x3FD9]  }
0x89: {  	s3 =	sld [smem:$0x3FFE];
	_ =	sdelay $0x1  }
0x8a: {  	s1 =	srdreg.scid  }
0x8b: {  	s0 =	sand.u32 $0x1, s1  }
0x8c: {  	s14 =	sshll.u32 s0, $0xA;
	s2 =	sadd.s32 s3, s2  }
0x8d: {  	s2 =	sadd.s32 s2, s14  }
0x8e: {  	[smem:$0x3FA8] =	sst s2  }
0x8f: {  	_ = 	snop  }
0x90: {  	s2 =	sld [smem:$0x3FD0];
	_ =	sdelay $0x2  }
0x91: {  	s15 =	simm.s32 $0xA;
	s4 =	simm.s32 $0x10  }
0x92: {  	[smem:s4], [sflag:s15] =	dma.local [hbm:s2], $0x1  }
0x93: {  	_ =	swait.eq [sflag:s15], $0x1  }
0x94: {  	[sflag:s15] =	ssyncset.done $0x0  }
0x95: {  	s16 =	sld [smem:$0x10];
	[sflag:s15] =	ssyncadd.s32 $0xFFFFFFFF  }
0x96: {  	s17 =	sld [smem:$0x11];
	(tm) =	ssettm $0x1  }
0x97: {  	s18 =	sld [smem:$0x3FFB];
	_ =	sdelay $0x3  }
0x98: {  	_ =	strace s18  }
0x99: {  	s4 =	sld [smem:$0x3FFC];
	_ =	sdelay $0x3  }
0x9a: {  	_ =	strace s4  }
0x9b: {  	s4 =	sld [smem:$0x3FFD];
	_ =	sdelay $0x3  }
0x9c: {  	_ =	strace s4  }
0x9d: {  	_ =	strace $0x8FFFFFFF  }
0x9e: {  	s19 =	sld [smem:$0x3FDB];
	_ =	sdelay $0x1  }
0x9f: {  	s5 =	simm.s32 $_scs_section_size  }
0xa0: {  	s6 =	simm.s32 $_size__tile_overlayer_lowered;
	s7 =	simm.s32 $_tile_overlayer_lowered  }
0xa1: {  	s22 =	simm.s32 $0x1BFF;
	s21 =	sshll.u32 s7, $0x1;
	s4 =	sadd.s32 s5, s19  }
0xa2: {  	s8 =	simm.s32 $0x0;
	s20 =	sshll.u32 s6, $0x1;
	s6 =	sadd.s32 s21, s4  }
0xa3: {  	[timem:s8], [sflag:s22] =	dma.local [hbm:s6], s20  }
0xa4: {  	_ =	swait.ge [sflag:s22], s20  }
0xa5: {  	s5 =	ssub.s32 $0x0, s20;
	[sflag:s22] =	ssyncset.done $0x0  }
0xa6: {  	[sflag:s22] =	ssyncadd.s32 s5;
	_ =	sdelay $0x1  }
0xa7: {  	s23 =	simm.s32 $0x1B8B  }
0xa8: {  	_ =	swait.ge [sflag:s23], $0x1  }
0xa9: {  	[sflag:s23] =	ssyncset.done $0x0  }
0xaa: {  	s25 =	simm.s32 $0x1B8E;
	s24 =	sld [smem:$0x3FFE];
	[sflag:s23] =	ssyncadd.s32 $0xFFFFFFFF  }
0xab: {  	s26 =	simm.s32 $execute0_lowered;
	[smem:$0x3FD2] =	sst s25  }
0xac: {  	s6 =	sshll.u32 s26, $0x1;
	_ =	strace $0x80000049;
	[dreg:$0x1] =	wrdreg $0xFFFFFFFF  }
0xad: {  	s28 =	simm.s32 $_size_execute0_lowered;
	s4 =	sadd.s32 s4, s6;
	[dreg:$0x0] =	wrdreg $0x0  }
0xae: {  	s6 =	sshll.u32 s28, $0x1;
	[dreg:$0x2] =	wrdreg s4  }
0xaf: {  	[dreg:$0x3] =	wrdreg s6  }
0xb0: {  	[dreg:$0x4] =	wrdreg $0xC0  }
0xb1: {  	_ =	task [dreg:s8], $0x5FFFF  }
0xb2: {  	[dreg:$0x1] =	wrdreg $0xFFFFFFFF  }
0xb3: {  	[dreg:$0x0] =	wrdreg $0x60  }
0xb4: {  	[dreg:$0x2] =	wrdreg s24  }
0xb5: {  	[dreg:$0x3] =	wrdreg s16  }
0xb6: {  	[dreg:$0x4] =	wrdreg s17  }
0xb7: {  	[dreg:$0x5] =	wrdreg $0x84000  }
0xb8: {  	[dreg:$0x6] =	wrdreg $0x9  }
0xb9: {  	_ =	task.clear_ibuf [dreg:s8], $0x7FFFF;
	_ =	strace $0x90000049  }
0xba: {  	s29 =	simm.s32 $0x9;
	_ =	strace $0x8000004B  }
0xbb: {  	_ =	swait.ge [sflag:s29], $0x1  }
0xbc: {  	[sflag:s29] =	ssyncadd.s32 $0xFFFFFFFF  }
0xbd: {  	_ =	strace $0x9000004B  }
0xbe: {  	_ =	sfence  }
0xbf: {  	s30 =	sld [smem:$0x0];
	_ =	sdelay $0x2  }
0xc0: {  	s31 =	sshll.u32 s1, $0xD;
	s1 =	sshrl.u32 s1, $0x2  }
0xc1: {  	s3 =	sand.u32 $0x4000, s31;
	s1 =	sadd.s32 s1, s30  }
0xc2: {  	s0 =	sor.u32 s3, s0;
	s1 =	sshll.u32 s1, $0x11  }
0xc3: {  	s0 =	sor.u32 s1, s0  }
0xc4: {  	s0 =	sadd.s32 $0x8F2B, s0  }
0xc5: {  	[sflag:s0] =	ssyncadd.remote.s32 $0x1  }
0xc6: {  	_ =	sfence.sel $0xFFFF  }
0xc7: {  	[dreg:$0x0] =	wrdreg $0xFFFFFFFF;
	(pc) =	sbr.abs _section_cstart, $3  }
0xc8: {  	[dreg:$0x1] =	wrdreg $0xFFFFFFFF  }
0xc9: {  	_ =	task.clear_ibuf [dreg:s8], $0x2FFFF;
	_ =	strace $0x9FFFFFFF  }
0xca: {  	(tm) =	ssettm $0x7FFFFFFF  }
0xcb: {  	_ =	shalt  }
tec
execute0_lowered:
.L_overlay_start_1:
0x0: {  	(tag) =	ssettag $0x1  }
0x1: {  	s0 =	rddreg [dreg:$0x0]  }
0x2: {  	s1 =	rddreg [dreg:$0x1]  }
0x3: {  	s3 =	rddreg [dreg:$0x2]  }
0x4: {  	s4 =	rddreg [dreg:$0x3];
	s12 =	stileid.u32  }
0x5: {  	s5 =	simm.s32 $0x0;
	s2 =	srdreg.scid;
	s7 =	smul.u32 $0x14000, s12  }
0x6: {  	s17 =	simm.s32 $0x4;
	s19 =	simm.s32 $0x80;
	s10 =	smul.u32 $0x50000, s12  }
0x7: {  	s22 =	simm.s32 $0x2;
	s2 =	sand.u32 $0x1, s2;
	s11 =	smul.u32 $0x5000, s12  }
0x8: {  	[smem:$0x7FF] =	sst s5;
	s6 =	sadd.s32 $0xCD600, s0;
	s8 =	smul.u32 $0x140000, s2  }
0x9: {  	s26 =	sshll.u32 s12, $0x6;
	s23 =	smul.u32 $0x50000, s2;
	s2 =	ssub.s32 $0x2, s2  }
0xa: {  	_ =	strace $0x8000004A;
	s9 =	sshrl.u32 s7, $0x3;
	s24 =	sshrl.u32 s2, $0x1  }
0xb: {  	s10 =	sshrl.u32 s10, $0x2;
	s9 =	sadd.s32 s9, s0;
	s7 =	sadd.s32 s7, s8  }
0xc: {  	s2 =	ssub.s32 s2, s24;
	s16 =	sadd.s32 s10, s4;
	s7 =	sshrl.u32 s7, $0x3  }
0xd: {  	s24 =	simm.s32 $0x3;
	s0 =	sadd.s32 s7, s0;
	s7 =	sadd.s32 s11, s23  }
0xe: {  	s25 =	sadd.s32 $0x55000, s9;
	s9 =	sor.u32 $0x1C04, s26;
	s11 =	sshrl.u32 s7, $0x3  }
0xf: {  	s15 =	smax.u32 s2, $0x1;
	[dreg:$0x5] =	wrdreg s25;
	s28 =	sadd.s32 s1, s11  }
0x10: {  	s29 =	sor.u32 $0x10, s11;
	s30 =	sadd.s32 s3, s11;
	[dreg:$0x6] =	wrdreg s28  }
0x11: {  	s16 =	sshrl.u32 s16, $0x3;
	[dreg:$0x7] =	wrdreg s30;
	s31 =	sadd.s32 s1, s29  }
0x12: {  	s23 =	simm.s32 $0x1;
	s8 =	sadd.s32 s3, s29;
	[dreg:$0x8] =	wrdreg s31  }
0x13: {  	s25 =	simm.s32 $0x0;
	s14 =	sadd.s32 $0x11D600, s0;
	[dreg:$0x9] =	wrdreg s8  }
.LBB2_1:
0x14: {  	s0 =	rddreg [dreg:$0x5]  }
0x15: {  	[spmem:s16], [sflag:s9] =	dma.local [hbm:s0], $0x2800  }
0x16: {  	_ =	swait.ge [sflag:s17], $0x2800  }
0x17: {  	[sflag:s17] =	ssyncset.done $0x0  }
0x18: {  	[sflag:s17] =	ssyncadd.s32 $0xFFFFD800  }
0x19: {  	[bflag:$0x0] =	sbarrier.arrive $0xFFFF  }
0x1a: {  	s12 =	simm.s32 $0x280;
	s13 =	simm.s32 $0x400;
	s2 =	rddreg [dreg:$0x6]  }
0x1b: {  	[tilespmem:s5], [sflag:$0x4] =	stream.linear.gather [hbm4b:s2+s5], $0x80, $0x38;
	[tilespmem:$0x1C400] =	vst v63  }
0x1c: {  	s26 =	simm.s32 $0x1;
	p0 =	por $0x1, $0x1;
	_ =	swait.ge [sflag:s17], $0x80  }
0x1d: {  	p1 =	por $0x1, $0x1;
	s28 =	simm.s32 $0x2;
	[sflag:s17] =	ssyncset.done $0x0  }
0x1e: {  	s2 =	simm.s32 $0x200;
	s8 =	rddreg [dreg:$0x7];
	[sflag:s17] =	ssyncadd.s32 $0xFFFFFF80  }
0x1f: {  	[tilespmem:s2], [sflag:$0x4] =	stream.linear.gather [hbm4b:s8+s5], $0x80, $0x38;
	[tilespmem:$0x1C400] =	vst v63  }
0x20: {  	s18 =	simm.s32 $0x0;
	s30 =	simm.s32 $0x0;
	_ =	swait.ge [sflag:s17], $0x80  }
0x21: {  	s8 =	sand.u32 $0xFF, s28;
	s2 =	smul.u32 $0xAB, s18;
	[sflag:s17] =	ssyncset.done $0x0  }
0x22: {  	s8 =	smul.u32 $0xAB, s8;
	s10 =	rddreg [dreg:$0x8];
	[sflag:s17] =	ssyncadd.s32 $0xFFFFFF80  }
0x23: {  	[tilespmem:s19], [sflag:$0x2] =	stream.linear.gather [hbm4b:s10+s5], $0x80, $0x38;
	[tilespmem:$0x1C400] =	vst v63  }
0x24: {  	s18 =	simm.s32 $0x2;
	s11 =	rddreg [dreg:$0x9];
	s8 =	sshrl.u32 s8, $0x9  }
0x25: {  	[tilespmem:s12], [sflag:$0x2] =	stream.linear.gather [hbm4b:s11+s5], $0x80, $0x38;
	[tilespmem:$0x1C400] =	vst v63  }
0x26: {  	s0 =	simm.s32 @!p0 $0x3;
	s18 =	simm.s32 @!p1 $0xFFFFFF62;
	s8 =	smul.u32 $0x3, s8  }
0x27: {  	[tilespmem:s13], [sflag:$0x1] =	stream.indirect.gather [hbm4b:s6+s19], $0x80, s5, s19, $0xb8;
	[tilespmem:$0x1C400] =	vst v63  }
0x28: {  	s20 =	sadd.s32 $0x0, s18;
	s2 =	sshrl.u32 s2, $0x9;
	_ =	swait.ge @!p0 [sflag:s0], $0x4000  }
0x29: {  	s31 =	sand.u32 $0x7F, s2;
	s8 =	ssub.s32 $0x2, s8;
	[sflag:s0] =	ssyncset.done @!p0 $0x0  }
0x2a: {  	s8 =	sand.u32 $0xFF, s8;
	[sflag:s0] =	ssyncadd.s32 @!p0 $0xFFFFC000;
	s0 =	sshll.u32 s20, $0x7  }
0x2b: {  	s8 =	sshll.u32 s8, $0x7;
	p0 =	por $0x0, $0x0;
	s21 =	sand.u32 $0x7C00, s0  }
0x2c: {  	_ =	swait.ge [sflag:s22], $0x80;
	s0 =	sand.u32 $0x380, s0;
	s18 =	sadd.s32 s7, s21  }
0x2d: {  	[sflag:s22] =	ssyncset.done $0x0;
	s0 =	sor.u32 s0, s18;
	s18 =	sand.u32 @!p0 $0xFF, s23  }
0x2e: {  	s20 =	sor.u32 $0x200, s8;
	[sflag:s22] =	ssyncadd.s32 $0xFFFFFF80;
	s18 =	smul.u32 @!p0 $0xAB, s18  }
0x2f: {  	s29 =	sxor.u32 @!p0 $0xFFFFFFFF, s5;
	s2 =	simm.s32 @!p0 $0x80;
	_ =	swait.ge [sflag:s22], $0x80  }
0x30: {  	s0 =	sshrl.u32 s0, $0x3;
	[sflag:s22] =	ssyncset.done $0x0;
	s18 =	sshrl.u32 @!p0 s18, $0x9  }
0x31: {  	s21 =	sadd.s32 s1, s0;
	[sflag:s22] =	ssyncadd.s32 $0xFFFFFF80;
	s18 =	smul.u32 @!p0 $0x3, s18  }
0x32: {  	[tilespmem:s8], [sflag:$0x2] =	stream.linear.gather [hbm4b:s21+s5], $0x80, $0x38;
	[tilespmem:$0x1C400] =	vst v63  }
0x33: {  	s8 =	sand.u32 @!p0 $0x4000, s29;
	s29 =	smul.u32 $0x3, s31;
	s18 =	ssub.s32 @!p0 $0x1, s18  }
0x34: {  	s21 =	sand.u32 @!p0 $0xFF, s18;
	s18 =	sor.u32 @!p0 $0x400, s8;
	s8 =	sadd.s32 s3, s0  }
0x35: {  	s0 =	ssub.s32 $0x0, s29;
	s29 =	simm.s32 $0x4000;
	s21 =	sshll.u32 @!p0 s21, $0x7  }
.LBB2_2:
0x36: {  	[tilespmem:s20], [sflag:$0x2] =	stream.linear.gather [hbm4b:s8+s5], $0x80, $0x38;
	[tilespmem:$0x1C400] =	vst v63  }
0x37: {  	s8 =	smov.u32 s26  }
0x38: {  	s26 =	sadd.s32 $0x1, s26;
	s0 =	sand.u32 $0xFB, s0;
	_ =	swait.ge [sflag:s23], $0x4000  }
0x39: {  	s20 =	sand.u32 $0x4000, s30;
	p1 =	sne.s32 s26, $0xA0;
	[sflag:s23] =	ssyncset.done $0x0  }
0x3a: {  	s31 =	smov.u32 s28;
	s0 =	sshll.u32 s0, $0x7;
	[sflag:s23] =	ssyncadd.s32 $0xFFFFC000  }
0x3b: {  	s30 =	smov.u32 s29;
	s20 =	sor.u32 $0x400, s20;
	s0 =	sor.u32 $0x200, s0  }
0x3c: {  	[tilespmem:s18], [sflag:$0x1] =	stream.indirect.gather @!p0 [hbm4b:s6+s2], $0x80, s21, s2, $0xb8;
	[tilespmem:$0x1C400] =	vst v63  }
0x3d: {  	s28 =	sadd.s32 $0x1, s28;
	p2 =	slt.u32 s8, $0x9E;
	p0 =	seq.s32 s29, $0x0  }
0x3e: {  	[spmem:s4] =	stream.indirect.scatter.add.f32 [tilespmem:s20], [sflag:$0x3], $0x80, s0, s19, $0xb8;
	[tilespmem:$0x1C400] =	vst v63  }
0x3f: {  	s18 =	sand.u32 $0xFF, s28;
	s2 =	simm.s32 @!p0 $0x3;
	s0 =	sadd.s32 $0xFFFFFFFF, s31  }
0x40: {  	s20 =	simm.s32 $0x2;
	s21 =	smul.u32 $0xAB, s0;
	_ =	swait.ge @!p0 [sflag:s2], $0x4000  }
0x41: {  	s18 =	smul.u32 $0xAB, s18;
	s20 =	simm.s32 @!p2 $0xFFFFFF62;
	[sflag:s2] =	ssyncset.done @!p0 $0x0  }
0x42: {  	[sflag:s2] =	ssyncadd.s32 @!p0 $0xFFFFC000;
	s2 =	sadd.s32 s20, s8;
	p0 =	seq.s32 s8, $0x9F  }
0x43: {  	s8 =	sshrl.u32 s18, $0x9;
	_ =	swait.ge [sflag:s22], $0x80;
	s2 =	sshll.u32 s2, $0x7  }
0x44: {  	[sflag:s22] =	ssyncset.done $0x0;
	s18 =	sand.u32 $0x7C00, s2;
	s2 =	sand.u32 $0x380, s2  }
0x45: {  	s8 =	smul.u32 $0x3, s8;
	[sflag:s22] =	ssyncadd.s32 $0xFFFFFF80;
	s18 =	sadd.s32 s7, s18  }
0x46: {  	_ =	swait.ge [sflag:s22], $0x80;
	s2 =	sor.u32 s2, s18;
	s18 =	sand.u32 @!p0 $0xFF, s31  }
0x47: {  	s8 =	ssub.s32 s28, s8;
	[sflag:s22] =	ssyncset.done $0x0  }
0x48: {  	s10 =	sshrl.u32 s2, $0x3;
	s2 =	sand.u32 $0xFF, s8;
	s18 =	smul.u32 @!p0 $0xAB, s18  }
0x49: {  	[sflag:s22] =	ssyncadd.s32 $0xFFFFFF80;
	s8 =	sadd.s32 s1, s10;
	s11 =	sshll.u32 s2, $0x7  }
0x4a: {  	s2 =	sxor.u32 @!p0 $0xFFFFFFFF, s29;
	s20 =	sor.u32 $0x200, s11  }
0x4b: {  	s12 =	sand.u32 @!p0 $0x4000, s2;
	s2 =	simm.s32 @!p0 $0x80;
	s13 =	sshrl.u32 @!p0 s18, $0x9  }
0x4c: {  	s18 =	sor.u32 @!p0 $0x400, s12;
	s12 =	sshrl.u32 s21, $0x9;
	s13 =	smul.u32 @!p0 $0x3, s13  }
.Ltmp0:
0x4d: {  	s12 =	sand.u32 $0x7F, s12;
	(pc) =	sbr.rel @p1 .LBB2_2-.Ltmp0, $4  }
0x4e: {  	[tilespmem:s11], [sflag:$0x2] =	stream.linear.gather [hbm4b:s8+s5], $0x80, $0x38;
	[tilespmem:$0x1C400] =	vst v63  }
0x4f: {  	s8 =	sadd.s32 s3, s10;
	s10 =	ssub.s32 @!p0 s31, s13;
	s11 =	smul.u32 $0x3, s12  }
0x50: {  	s10 =	sand.u32 @!p0 $0xFF, s10  }
0x51: {  	s29 =	sadd.s32 $0x4000, s29;
	s21 =	sshll.u32 @!p0 s10, $0x7;
	s0 =	ssub.s32 s0, s11  }
0x52: {  	[tilespmem:s20], [sflag:$0x2] =	stream.linear.gather [hbm4b:s8+s5], $0x80, $0x38;
	[tilespmem:$0x1C400] =	vst v63  }
0x53: {  	_ =	swait.ge [sflag:s23], $0x4000  }
0x54: {  	s0 =	sand.u32 $0xFB, s0;
	[sflag:s23] =	ssyncset.done $0x0  }
0x55: {  	s30 =	sand.u32 $0x4000, s30;
	s0 =	sshll.u32 s0, $0x7;
	[sflag:s23] =	ssyncadd.s32 $0xFFFFC000  }
0x56: {  	[tilespmem:s18], [sflag:$0x1] =	stream.indirect.gather @!p0 [hbm4b:s6+s2], $0x80, s21, s2, $0xb8;
	[tilespmem:$0x1C400] =	vst v63  }
0x57: {  	s31 =	sor.u32 $0x400, s30;
	s0 =	sor.u32 $0x200, s0  }
0x58: {  	[spmem:s4] =	stream.indirect.scatter.add.f32 [tilespmem:s31], [sflag:$0x3], $0x80, s0, s19, $0xb8;
	[tilespmem:$0x1C400] =	vst v63  }
0x59: {  	_ =	swait.ge [sflag:s24], $0x4000  }
0x5a: {  	[sflag:s24] =	ssyncset.done $0x0  }
0x5b: {  	[sflag:s24] =	ssyncadd.s32 $0xFFFFC000  }
0x5c: {  	_ =	swait.ge [sflag:s22], $0x80  }
0x5d: {  	[sflag:s22] =	ssyncset.done $0x0  }
0x5e: {  	[sflag:s22] =	ssyncadd.s32 $0xFFFFFF80  }
0x5f: {  	_ =	swait.ge [sflag:s22], $0x80  }
0x60: {  	s25 =	sadd.s32 $0x1, s25;
	[sflag:s22] =	ssyncset.done $0x0  }
0x61: {  	p0 =	sne.s32 s25, s15;
	[sflag:s22] =	ssyncadd.s32 $0xFFFFFF80  }
.Ltmp1:
0x62: {  	[bflag:$0x0] =	sbarrier.arrive $0xFFFF;
	(pc) =	sbr.rel @p0 .LBB2_1-.Ltmp1, $4  }
0x63: {  	[hbm:s14], [sflag:s9] =	dma.local [spmem:s16], $0x2800  }
0x64: {  	_ =	swait.ge [sflag:s17], $0x2800  }
0x65: {  	[sflag:s17] =	ssyncset.done $0x0  }
0x66: {  	[sflag:s17] =	ssyncadd.s32 $0xFFFFD800  }
0x67: {  	_ =	sfence.sel $0x180000  }
0x68: {  	[bflag:$0x0] =	sbarrier.arrive $0xFFFF  }
0x69: {  	_ =	strace $0x9000004A  }
0x6a: {  	s0 =	stileid.u32;
	[bflag:$0x2] =	sbarrier.arrive $0xFFFF  }
0x6b: {  	p0 =	sne.s32 s0, $0x0;
	s0 =	rddreg [dreg:$0x4]  }
0x6c: {  	s0 =	sadd.s32 @!p0 $0x100000, s0  }
0x6d: {  	[sflag:s0] =	ssyncadd.tile.s32 @!p0 $0x1;
	_ =	shalt  }
.Lfunc_end2:
_tile_overlayer_lowered:
.L_overlay_start_2:
0x6e: {  	(tag) =	ssettag $0x2  }
0x6f: {  	s0 =	rddreg [dreg:$0x0];
	s2 =	stileid.u32  }
0x70: {  	s1 =	rddreg [dreg:$0x1];
	p0 =	sne.s32 s2, $0x0  }
0x71: {  	s3 =	rddreg [dreg:$0x2];
	[bflag:$0x3] =	sbarrier.arrive $0xFFFF;
	s2 =	simm.s32 @!p0 $0x1C04  }
0x72: {  	[timem:s3], [sflag:s2] =	dma.local @!p0 [hbm:s0], s1  }
0x73: {  	s0 =	simm.s32 @!p0 $0x4  }
0x74: {  	_ =	swait.ge @!p0 [sflag:s0], s1  }
0x75: {  	s1 =	ssub.s32 @!p0 $0x0, s1;
	[sflag:s0] =	ssyncset.done @!p0 $0x0  }
0x76: {  	[sflag:s0] =	ssyncadd.s32 @!p0 s1  }
0x77: {  	[bflag:$0x3] =	sbarrier.arrive $0xFFFF  }
0x78: {  	_ =	shalt  }

</sc_bundles>
